<compile_context>
chip_gen: v7x
topology: tpu7x:2x2x1
jax: 0.10.2.dev20260603
libtpu: 0.0.44.dev20260713+nightly
codegen_flags: <defaults>
</compile_context>

<pallas_src>
import functools

import jax
import jax.numpy as jnp
from jax import lax
from jax.experimental import pallas as pl
from jax.experimental.pallas import tpu as pltpu
from jax.experimental.pallas import tpu_sc as plsc

N = 10000
E = 320000
D = 128
G = 64
BN_EPS = 1e-5

NC = 2
NS = 16
NW = NC * NS
EPW = E // NW
CH = 80
NCHUNK = EPW // CH
N_PAD = 10240
RPT = N_PAD // NS
RCH = RPT // CH

RB = 400
NBLK = N // RB


def _sc_segsum_body(h_hbm, src_hbm, dstc_hbm, zeros_hbm, out_hbm,
                    src_v, dst_v, rows0_v, rows1_v, acc_sh,
                    isem, gsem0, gsem1, ssem0, ssem1):
    c = lax.axis_index("c")
    s = lax.axis_index("s")
    wid = s * NC + c

    rows = (rows0_v, rows1_v)
    gsem = (gsem0, gsem1)
    ssem = (ssem0, ssem1)

    src_view = src_hbm.at[pl.ds(pl.multiple_of(wid * EPW, 8), EPW)]
    dst_view = dstc_hbm.at[wid]
    pltpu.async_copy(src_view, src_v, isem)
    pltpu.async_copy(dst_view, dst_v, isem)

    pltpu.sync_copy(zeros_hbm, rows0_v)

    def zbody(j, carry):
        pltpu.sync_copy(rows0_v, acc_sh.at[pl.ds(s * RPT + j * CH, CH)])
        return carry

    lax.fori_loop(0, RCH, zbody, 0)
    pltpu.make_async_copy(src_view, src_v, isem).wait()
    pltpu.make_async_copy(dst_view, dst_v, isem).wait()
    plsc.subcore_barrier()

    def gather(i, p):
        pltpu.async_copy(h_hbm.at[src_v.at[pl.ds(i * CH, CH)]],
                         rows[p], gsem[p])

    def scat_start(i, p):
        pltpu.async_copy(rows[p], acc_sh.at[dst_v.at[i]], ssem[p],
                         add=True)

    def scat_wait(p):
        pltpu.make_async_copy(rows[p], acc_sh.at[pl.ds(0, CH)],
                              ssem[p]).wait()

    def gat_wait(p):
        pltpu.make_async_copy(h_hbm.at[pl.ds(0, CH)], rows[p],
                              gsem[p]).wait()

    gather(0, 0)
    gather(1, 1)

    def body(ii, carry):
        i = ii * 2
        gat_wait(0)
        scat_start(i, 0)
        gat_wait(1)
        scat_start(i + 1, 1)
        scat_wait(0)
        gather(i + 2, 0)
        scat_wait(1)

        @pl.when(i + 3 < NCHUNK)
        def _():
            gather(i + 3, 1)

        return carry

    lax.fori_loop(0, (NCHUNK - 1) // 2, body, 0)
    gat_wait(0)
    scat_start(NCHUNK - 1, 0)
    scat_wait(0)
    plsc.subcore_barrier()

    def obody(j, carry):
        off = s * RPT + j * CH
        pltpu.sync_copy(acc_sh.at[pl.ds(off, CH)], rows0_v)
        pltpu.sync_copy(rows0_v, out_hbm.at[c, pl.ds(off, CH)])
        return carry

    lax.fori_loop(0, RCH, obody, 0)


@functools.lru_cache(maxsize=1)
def _sc_segsum_kernel():
    return pl.kernel(
        _sc_segsum_body,
        out_type=jax.ShapeDtypeStruct((NC, N_PAD, D), jnp.float32),
        mesh=plsc.VectorSubcoreMesh(
            core_axis_name="c", subcore_axis_name="s",
            num_cores=NC, num_subcores=NS),
        scratch_types=[
            pltpu.VMEM((EPW,), jnp.int32),
            pltpu.VMEM((NCHUNK, CH), jnp.int32),
            pltpu.VMEM((CH, D), jnp.float32),
            pltpu.VMEM((CH, D), jnp.float32),
            pltpu.VMEM_SHARED((N_PAD, D), jnp.float32),
            pltpu.SemaphoreType.DMA,
            pltpu.SemaphoreType.DMA,
            pltpu.SemaphoreType.DMA,
            pltpu.SemaphoreType.DMA,
            pltpu.SemaphoreType.DMA,
        ],
    )


def _sc_segsum(h, src, dstc, zeros):
    return _sc_segsum_kernel()(h, src, dstc, zeros)


def _mlp_body(h_ref, p_ref, w1_ref, b1_ref, w2_ref, b2_ref,
              z2_ref, st_ref):
    i = pl.program_id(0)
    z = h_ref[...] + p_ref[0] + p_ref[1]
    a = jnp.maximum(
        jnp.dot(z, w1_ref[...], preferred_element_type=jnp.float32)
        + b1_ref[...], 0.0)
    z2 = (jnp.dot(a, w2_ref[...], preferred_element_type=jnp.float32)
          + b2_ref[...])
    z2_ref[...] = z2
    s0 = jnp.sum(z2, axis=0, keepdims=True)
    s1 = jnp.sum(z2 * z2, axis=0, keepdims=True)
    contrib = jnp.concatenate(
        [s0, s1, jnp.zeros((6, D), jnp.float32)], axis=0)

    @pl.when(i == 0)
    def _():
        st_ref[...] = contrib

    @pl.when(i > 0)
    def _():
        st_ref[...] = st_ref[...] + contrib


def _mlp(h, parts, W1, b1, W2, b2):
    return pl.pallas_call(
        _mlp_body,
        grid=(NBLK,),
        in_specs=[
            pl.BlockSpec((RB, D), lambda i: (i, 0)),
            pl.BlockSpec((NC, RB, D), lambda i: (0, i, 0)),
            pl.BlockSpec((D, 2 * D), lambda i: (0, 0)),
            pl.BlockSpec((1, 2 * D), lambda i: (0, 0)),
            pl.BlockSpec((2 * D, D), lambda i: (0, 0)),
            pl.BlockSpec((1, D), lambda i: (0, 0)),
        ],
        out_specs=[
            pl.BlockSpec((RB, D), lambda i: (i, 0)),
            pl.BlockSpec((8, D), lambda i: (0, 0)),
        ],
        out_shape=[
            jax.ShapeDtypeStruct((N, D), jnp.float32),
            jax.ShapeDtypeStruct((8, D), jnp.float32),
        ],
    )(h, parts, W1, b1.reshape(1, 2 * D), W2, b2.reshape(1, D))


def _bnrelu_body(z_ref, sc_ref, sh_ref, o_ref):
    o_ref[...] = jnp.maximum(z_ref[...] * sc_ref[...] + sh_ref[...], 0.0)


def _bnrelu(z, scale, shift):
    return pl.pallas_call(
        _bnrelu_body,
        grid=(NBLK,),
        in_specs=[
            pl.BlockSpec((RB, D), lambda i: (i, 0)),
            pl.BlockSpec((1, D), lambda i: (0, 0)),
            pl.BlockSpec((1, D), lambda i: (0, 0)),
        ],
        out_specs=pl.BlockSpec((RB, D), lambda i: (i, 0)),
        out_shape=jax.ShapeDtypeStruct((N, D), jnp.float32),
    )(z, scale, shift)


def _segmax_body(starts_ref, blo_ref, bhi_ref, z_ref, sc_ref, sh_ref, out_ref):
    b = pl.program_id(0)

    @pl.when(b == 0)
    def _():
        out_ref[...] = jnp.full((G, D), -jnp.inf, jnp.float32)

    zn = z_ref[...] * sc_ref[...] + sh_ref[...]
    gi = b * RB + lax.broadcasted_iota(jnp.int32, (RB, D), 0)
    gidx = lax.broadcasted_iota(jnp.int32, (G, D), 0)

    def gbody(g, carry):
        lo = starts_ref[g]
        hi = starts_ref[g + 1]
        m = (gi >= lo) & (gi < hi)
        v = jnp.max(jnp.where(m, zn, -jnp.inf), axis=0, keepdims=True)
        upd = jnp.where(gidx == g, v, -jnp.inf)
        out_ref[...] = jnp.maximum(out_ref[...], upd)
        return carry

    lax.fori_loop(blo_ref[b], bhi_ref[b] + 1, gbody, 0)


def _segmax(z, scale, shift, starts, blo, bhi):
    return pl.pallas_call(
        _segmax_body,
        grid=(NBLK,),
        in_specs=[
            pl.BlockSpec(memory_space=pltpu.SMEM),
            pl.BlockSpec(memory_space=pltpu.SMEM),
            pl.BlockSpec(memory_space=pltpu.SMEM),
            pl.BlockSpec((RB, D), lambda i: (i, 0)),
            pl.BlockSpec((1, D), lambda i: (0, 0)),
            pl.BlockSpec((1, D), lambda i: (0, 0)),
        ],
        out_specs=pl.BlockSpec((G, D), lambda i: (0, 0)),
        out_shape=jax.ShapeDtypeStruct((G, D), jnp.float32),
    )(starts, blo, bhi, z, scale, shift)


def kernel(x, edge_index, batch,
           W1_0, b1_0, W2_0, b2_0, gamma_0, beta_0,
           W1_1, b1_1, W2_1, b2_1, gamma_1, beta_1):
    src = edge_index[0]
    dstc = edge_index[1].reshape(NW, NCHUNK, CH)
    zeros = jnp.zeros((CH, D), jnp.float32)
    starts = jnp.searchsorted(
        batch, jnp.arange(G + 1, dtype=jnp.int32), side='left'
    ).astype(jnp.int32)
    bidx = jnp.arange(NBLK, dtype=jnp.int32)
    blo = batch[bidx * RB]
    bhi = batch[bidx * RB + RB - 1]

    params = [
        (W1_0, b1_0, W2_0, b2_0, gamma_0, beta_0),
        (W1_1, b1_1, W2_1, b2_1, gamma_1, beta_1),
    ]
    h = x
    for l, (W1, b1, W2, b2, gamma, beta) in enumerate(params):
        parts = _sc_segsum(h, src, dstc, zeros)
        z2, st = _mlp(h, parts, W1, b1, W2, b2)
        mean = st[0] / N
        var = st[1] / N - mean * mean
        scale = (gamma * lax.rsqrt(var + BN_EPS)).reshape(1, D)
        shift = (beta - mean * scale[0]).reshape(1, D)
        if l == 0:
            h = _bnrelu(z2, scale, shift)
        else:
            return _segmax(z2, scale, shift, starts, blo, bhi)

# --- scband reference (transcript-rebuilt; emitter-appended) ---
"""Pipeline reference for scband-mo-mu-gnn-25675314495589 (READ-ONLY COPY).

The authoritative reference and input builder live on the scoring server;
editing this copy changes nothing except your own understanding.
"""

import jax, jax.numpy as jnp
import numpy as np

N = 10000
E = 320000
D = 128
G = 64
NUM_LAYER = 2
BN_EPS = 1e-5


def setup_inputs(seed: int = 0) -> dict:
    key = jax.random.key(seed)
    ks = jax.random.split(key, 20)
    inp = {}
    inp['x'] = jax.random.normal(ks[0], (N, D), dtype=jnp.float32)
    inp['edge_index'] = jax.random.randint(ks[1], (2, E), 0, N, dtype=jnp.int32)
    inp['batch'] = jnp.sort(jax.random.randint(ks[2], (N,), 0, G, dtype=jnp.int32))
    for l in range(NUM_LAYER):
        inp[f'W1_{l}'] = jax.random.normal(ks[3 + 4 * l], (D, 2 * D), dtype=jnp.float32) * 0.05
        inp[f'b1_{l}'] = jnp.zeros((2 * D,), dtype=jnp.float32)
        inp[f'W2_{l}'] = jax.random.normal(ks[4 + 4 * l], (2 * D, D), dtype=jnp.float32) * 0.05
        inp[f'b2_{l}'] = jnp.zeros((D,), dtype=jnp.float32)
        inp[f'gamma_{l}'] = jnp.ones((D,), dtype=jnp.float32)
        inp[f'beta_{l}'] = jnp.zeros((D,), dtype=jnp.float32)
    return inp


def _gin_conv(h, edge_index, W1, b1, W2, b2):
    # GINConv with eps=0, aggr='add': nn((1+eps)*x + sum_{j->i} x_j)
    src = edge_index[0]
    dst = edge_index[1]
    agg = jax.ops.segment_sum(h[src], dst, num_segments=N)
    z = h + agg
    z = jnp.maximum(z @ W1 + b1, 0.0)
    z = z @ W2 + b2
    return z


def _batch_norm(h, gamma, beta):
    # training-mode BatchNorm1d: batch statistics, biased variance
    mean = jnp.mean(h, axis=0)
    var = jnp.mean((h - mean) ** 2, axis=0)
    return (h - mean) / jnp.sqrt(var + BN_EPS) * gamma + beta


def reference(x, edge_index, batch,
              W1_0, b1_0, W2_0, b2_0, gamma_0, beta_0,
              W1_1, b1_1, W2_1, b2_1, gamma_1, beta_1):
    params = [
        (W1_0, b1_0, W2_0, b2_0, gamma_0, beta_0),
        (W1_1, b1_1, W2_1, b2_1, gamma_1, beta_1),
    ]
    h = x
    for l in range(NUM_LAYER):
        W1, b1, W2, b2, gamma, beta = params[l]
        h = _gin_conv(h, edge_index, W1, b1, W2, b2)
        h = _batch_norm(h, gamma, beta)
        if l < NUM_LAYER - 1:
            h = jnp.maximum(h, 0.0)  # relu; dropout with p=0 is identity
        # last layer: dropout p=0 -> identity
    # global_max_pool over graphs
    out = jax.ops.segment_max(h, batch, num_segments=G)
    return out

if __name__ == "__main__":
    import jax
    _d = setup_inputs()
    print(jax.jit(kernel)(*tuple(_d.values())))

</pallas_src>

<mosaic_0001>
#map = affine_map<(d0, d1) -> (0, 0)>
#map1 = affine_map<(d0, d1) -> (0)>
#map2 = affine_map<(d0, d1) -> (0, 0, 0)>
module attributes {stable_mosaic.version = 14 : i64} {
  func.func @_sc_segsum_body(%arg0: i32, %arg1: i32, %arg2: memref<10000x128xf32, #tpu.memory_space<hbm>>, %arg3: memref<320000xi32, #tpu.memory_space<hbm>>, %arg4: memref<32x125x80xi32, #tpu.memory_space<hbm>>, %arg5: memref<80x128xf32, #tpu.memory_space<hbm>>, %arg6: memref<2x10240x128xf32, #tpu.memory_space<hbm>>, %arg7: memref<10000xi32, #tpu.memory_space<vmem>>, %arg8: memref<125x80xi32, #tpu.memory_space<vmem>>, %arg9: memref<80x128xf32, #tpu.memory_space<vmem>>, %arg10: memref<80x128xf32, #tpu.memory_space<vmem>>, %arg11: memref<10240x128xf32, #tpu.memory_space<vmem_shared>>, %arg12: memref<!tpu.dma_semaphore, #tpu.memory_space<semaphore_mem>>, %arg13: memref<!tpu.dma_semaphore, #tpu.memory_space<semaphore_mem>>, %arg14: memref<!tpu.dma_semaphore, #tpu.memory_space<semaphore_mem>>, %arg15: memref<!tpu.dma_semaphore, #tpu.memory_space<semaphore_mem>>, %arg16: memref<!tpu.dma_semaphore, #tpu.memory_space<semaphore_mem>>) attributes {dimension_semantics = [#tpu.dimension_semantics<core_parallel>, #tpu.dimension_semantics<subcore_parallel>], iteration_bounds = array<i64: 2, 16>, scalar_prefetch = 0 : i64, scratch_operands = 10 : i64, tpu.core_type = #tpu.core_type<sc_vector_subcore>, window_params = [{transform_indices = #map}, {transform_indices = #map1}, {transform_indices = #map2}, {transform_indices = #map}, {transform_indices = #map2}]} {
    %mul3A = arith.constant 2 : i32
    %mul3A_0 = arith.muli %arg1, %mul3A : i32
    %add3A = arith.addi %mul3A_0, %arg0 : i32
    %mul3A_1 = arith.constant 10000 : i32
    %mul3A_2 = arith.muli %add3A, %mul3A_1 : i32
    %multiple_of3A = tpu.assume_multiple %mul3A_2, 8 : i32
    %dma_start3A = tpu.memref_slice %arg3[%multiple_of3A] : memref<320000xi32, #tpu.memory_space<hbm>> -> memref<10000xi32, #tpu.memory_space<hbm>>
    %dma_start3A_3 = tpu.memref_slice %arg3[%multiple_of3A] : memref<320000xi32, #tpu.memory_space<hbm>> -> memref<10000xi32, #tpu.memory_space<hbm>>
    tpu.enqueue_dma source(%dma_start3A_3 : memref<10000xi32, #tpu.memory_space<hbm>>) target(%arg7 : memref<10000xi32, #tpu.memory_space<vmem>>) target_semaphore(%arg12 : memref<!tpu.dma_semaphore, #tpu.memory_space<semaphore_mem>>)
    %dma_start3A_4 = arith.constant 0 : i32
    %dma_start3A_5 = arith.constant 0 : i32
    %dma_start3A_6 = tpu.memref_slice %arg4[%add3A, %dma_start3A_4, %dma_start3A_5] : memref<32x125x80xi32, #tpu.memory_space<hbm>> -> memref<1x125x80xi32, #tpu.memory_space<hbm>>
    %dma_start3A_7 = tpu.memref_squeeze %dma_start3A_6 : memref<1x125x80xi32, #tpu.memory_space<hbm>> -> memref<125x80xi32, #tpu.memory_space<hbm>>
    %dma_start3A_8 = arith.constant 0 : i32
    %dma_start3A_9 = arith.constant 0 : i32
    %dma_start3A_10 = tpu.memref_slice %arg4[%add3A, %dma_start3A_8, %dma_start3A_9] : memref<32x125x80xi32, #tpu.memory_space<hbm>> -> memref<1x125x80xi32, #tpu.memory_space<hbm>>
    %dma_start3A_11 = tpu.memref_squeeze %dma_start3A_10 : memref<1x125x80xi32, #tpu.memory_space<hbm>> -> memref<125x80xi32, #tpu.memory_space<hbm>>
    tpu.enqueue_dma source(%dma_start3A_11 : memref<125x80xi32, #tpu.memory_space<hbm>>) target(%arg8 : memref<125x80xi32, #tpu.memory_space<vmem>>) target_semaphore(%arg12 : memref<!tpu.dma_semaphore, #tpu.memory_space<semaphore_mem>>)
    "tpu.region"() ({
      %run_scoped3A = tpu.sem_alloc : memref<!tpu.dma_semaphore, #tpu.memory_space<semaphore_mem>>
      tpu.enqueue_dma source(%arg5 : memref<80x128xf32, #tpu.memory_space<hbm>>) target(%arg9 : memref<80x128xf32, #tpu.memory_space<vmem>>) target_semaphore(%run_scoped3A : memref<!tpu.dma_semaphore, #tpu.memory_space<semaphore_mem>>)
      tpu.wait_dma2 semaphore(%run_scoped3A : memref<!tpu.dma_semaphore, #tpu.memory_space<semaphore_mem>>) src(%arg5 : memref<80x128xf32, #tpu.memory_space<hbm>>) dst(%arg9 : memref<80x128xf32, #tpu.memory_space<vmem>>)
      tpu.yield
    }) : () -> ()
    %scan3A = arith.constant 0 : i32
    %scan3A_12 = arith.constant 0 : i32
    %scan3A_13 = arith.constant 8 : i32
    %scan3A_14 = arith.addi %scan3A_12, %scan3A_13 : i32
    %scan3A_15 = arith.constant 1 : i32
    scf.for %scan3A_68 = %scan3A_12 to %scan3A_14 step %scan3A_15  : i32 {
      %mul3A_69 = arith.constant 640 : i32
      %mul3A_70 = arith.muli %arg1, %mul3A_69 : i32
      %mul3A_71 = arith.constant 80 : i32
      %mul3A_72 = arith.muli %scan3A_68, %mul3A_71 : i32
      %add3A_73 = arith.addi %mul3A_70, %mul3A_72 : i32
      "tpu.region"() ({
        %run_scoped3A = tpu.sem_alloc : memref<!tpu.dma_semaphore, #tpu.memory_space<semaphore_mem>>
        %dma_start3A_74 = arith.constant 0 : i32
        %dma_start3A_75 = tpu.memref_slice %arg11[%add3A_73, %dma_start3A_74] : memref<10240x128xf32, #tpu.memory_space<vmem_shared>> -> memref<80x128xf32, #tpu.memory_space<vmem_shared>>
        %dma_start3A_76 = arith.constant 0 : i32
        %dma_start3A_77 = tpu.memref_slice %arg11[%add3A_73, %dma_start3A_76] : memref<10240x128xf32, #tpu.memory_space<vmem_shared>> -> memref<80x128xf32, #tpu.memory_space<vmem_shared>>
        tpu.enqueue_dma source(%arg9 : memref<80x128xf32, #tpu.memory_space<vmem>>) target(%dma_start3A_77 : memref<80x128xf32, #tpu.memory_space<vmem_shared>>) target_semaphore(%run_scoped3A : memref<!tpu.dma_semaphore, #tpu.memory_space<semaphore_mem>>)
        %dma_wait3A_78 = arith.constant 0 : i32
        %dma_wait3A_79 = tpu.memref_slice %arg11[%add3A_73, %dma_wait3A_78] : memref<10240x128xf32, #tpu.memory_space<vmem_shared>> -> memref<80x128xf32, #tpu.memory_space<vmem_shared>>
        %dma_wait3A_80 = arith.constant 0 : i32
        %dma_wait3A_81 = tpu.memref_slice %arg11[%add3A_73, %dma_wait3A_80] : memref<10240x128xf32, #tpu.memory_space<vmem_shared>> -> memref<80x128xf32, #tpu.memory_space<vmem_shared>>
        tpu.wait_dma2 semaphore(%run_scoped3A : memref<!tpu.dma_semaphore, #tpu.memory_space<semaphore_mem>>) src(%arg9 : memref<80x128xf32, #tpu.memory_space<vmem>>) dst(%dma_wait3A_81 : memref<80x128xf32, #tpu.memory_space<vmem_shared>>)
        tpu.yield
      }) : () -> ()
    }
    %scan3A_16 = arith.constant 8 : i32
    %dma_wait3A = tpu.memref_slice %arg3[%multiple_of3A] : memref<320000xi32, #tpu.memory_space<hbm>> -> memref<10000xi32, #tpu.memory_space<hbm>>
    %dma_wait3A_17 = tpu.memref_slice %arg3[%multiple_of3A] : memref<320000xi32, #tpu.memory_space<hbm>> -> memref<10000xi32, #tpu.memory_space<hbm>>
    tpu.wait_dma2 semaphore(%arg12 : memref<!tpu.dma_semaphore, #tpu.memory_space<semaphore_mem>>) src(%dma_wait3A_17 : memref<10000xi32, #tpu.memory_space<hbm>>) dst(%arg7 : memref<10000xi32, #tpu.memory_space<vmem>>)
    %dma_wait3A_18 = arith.constant 0 : i32
    %dma_wait3A_19 = arith.constant 0 : i32
    %dma_wait3A_20 = tpu.memref_slice %arg4[%add3A, %dma_wait3A_18, %dma_wait3A_19] : memref<32x125x80xi32, #tpu.memory_space<hbm>> -> memref<1x125x80xi32, #tpu.memory_space<hbm>>
    %dma_wait3A_21 = tpu.memref_squeeze %dma_wait3A_20 : memref<1x125x80xi32, #tpu.memory_space<hbm>> -> memref<125x80xi32, #tpu.memory_space<hbm>>
    %dma_wait3A_22 = arith.constant 0 : i32
    %dma_wait3A_23 = arith.constant 0 : i32
    %dma_wait3A_24 = tpu.memref_slice %arg4[%add3A, %dma_wait3A_22, %dma_wait3A_23] : memref<32x125x80xi32, #tpu.memory_space<hbm>> -> memref<1x125x80xi32, #tpu.memory_space<hbm>>
    %dma_wait3A_25 = tpu.memref_squeeze %dma_wait3A_24 : memref<1x125x80xi32, #tpu.memory_space<hbm>> -> memref<125x80xi32, #tpu.memory_space<hbm>>
    tpu.wait_dma2 semaphore(%arg12 : memref<!tpu.dma_semaphore, #tpu.memory_space<semaphore_mem>>) src(%dma_wait3A_25 : memref<125x80xi32, #tpu.memory_space<hbm>>) dst(%arg8 : memref<125x80xi32, #tpu.memory_space<vmem>>)
    %barrier3A = arith.constant 0 : index
    tpu.barrier barrier_id(%barrier3A)
    %dma_start3A_26 = arith.constant 0 : i32
    %dma_start3A_27 = tpu.memref_slice %arg7[%dma_start3A_26] : memref<10000xi32, #tpu.memory_space<vmem>> -> memref<80xi32, #tpu.memory_space<vmem>>
    %dma_start3A_28 = arith.constant 0 : i32
    %dma_start3A_29 = arith.constant 0 : i32
    %dma_start3A_30 = tpu.memref_slice %arg2[%dma_start3A_28, %dma_start3A_29] : memref<10000x128xf32, #tpu.memory_space<hbm>> -> memref<10000x128xf32, #tpu.memory_space<hbm>>
    tpu.enqueue_indirect_dma source(%dma_start3A_30 : memref<10000x128xf32, #tpu.memory_space<hbm>>) target(%arg9 : memref<80x128xf32, #tpu.memory_space<vmem>>) offsets(%dma_start3A_27 : memref<80xi32, #tpu.memory_space<vmem>>) semaphore(%arg13 : memref<!tpu.dma_semaphore, #tpu.memory_space<semaphore_mem>>)
    %dma_start3A_31 = arith.constant 80 : i32
    %dma_start3A_32 = tpu.memref_slice %arg7[%dma_start3A_31] : memref<10000xi32, #tpu.memory_space<vmem>> -> memref<80xi32, #tpu.memory_space<vmem>>
    %dma_start3A_33 = arith.constant 0 : i32
    %dma_start3A_34 = arith.constant 0 : i32
    %dma_start3A_35 = tpu.memref_slice %arg2[%dma_start3A_33, %dma_start3A_34] : memref<10000x128xf32, #tpu.memory_space<hbm>> -> memref<10000x128xf32, #tpu.memory_space<hbm>>
    tpu.enqueue_indirect_dma source(%dma_start3A_35 : memref<10000x128xf32, #tpu.memory_space<hbm>>) target(%arg10 : memref<80x128xf32, #tpu.memory_space<vmem>>) offsets(%dma_start3A_32 : memref<80xi32, #tpu.memory_space<vmem>>) semaphore(%arg14 : memref<!tpu.dma_semaphore, #tpu.memory_space<semaphore_mem>>)
    %scan3A_36 = arith.constant 0 : i32
    %scan3A_37 = arith.constant 0 : i32
    %scan3A_38 = arith.constant 62 : i32
    %scan3A_39 = arith.addi %scan3A_37, %scan3A_38 : i32
    %scan3A_40 = arith.constant 1 : i32
    scf.for %scan3A_68 = %scan3A_37 to %scan3A_39 step %scan3A_40  : i32 {
      %mul3A_69 = arith.constant 2 : i32
      %mul3A_70 = arith.muli %scan3A_68, %mul3A_69 : i32
      %dma_wait3A_71 = arith.constant 0 : i32
      %dma_wait3A_72 = arith.constant 0 : i32
      %dma_wait3A_73 = tpu.memref_slice %arg2[%dma_wait3A_71, %dma_wait3A_72] : memref<10000x128xf32, #tpu.memory_space<hbm>> -> memref<80x128xf32, #tpu.memory_space<hbm>>
      %dma_wait3A_74 = arith.constant 0 : i32
      %dma_wait3A_75 = arith.constant 0 : i32
      %dma_wait3A_76 = tpu.memref_slice %arg2[%dma_wait3A_74, %dma_wait3A_75] : memref<10000x128xf32, #tpu.memory_space<hbm>> -> memref<80x128xf32, #tpu.memory_space<hbm>>
      tpu.wait_dma2 semaphore(%arg13 : memref<!tpu.dma_semaphore, #tpu.memory_space<semaphore_mem>>) src(%dma_wait3A_76 : memref<80x128xf32, #tpu.memory_space<hbm>>) dst(%arg9 : memref<80x128xf32, #tpu.memory_space<vmem>>)
      %dma_start3A_77 = arith.constant 0 : i32
      %dma_start3A_78 = tpu.memref_slice %arg8[%mul3A_70, %dma_start3A_77] : memref<125x80xi32, #tpu.memory_space<vmem>> -> memref<1x80xi32, #tpu.memory_space<vmem>>
      %dma_start3A_79 = tpu.memref_squeeze %dma_start3A_78 : memref<1x80xi32, #tpu.memory_space<vmem>> -> memref<80xi32, #tpu.memory_space<vmem>>
      %dma_start3A_80 = arith.constant 0 : i32
      %dma_start3A_81 = arith.constant 0 : i32
      %dma_start3A_82 = tpu.memref_slice %arg11[%dma_start3A_80, %dma_start3A_81] : memref<10240x128xf32, #tpu.memory_space<vmem_shared>> -> memref<10240x128xf32, #tpu.memory_space<vmem_shared>>
      tpu.enqueue_indirect_dma source(%arg9 : memref<80x128xf32, #tpu.memory_space<vmem>>) target(%dma_start3A_82 : memref<10240x128xf32, #tpu.memory_space<vmem_shared>>) offsets(%dma_start3A_79 : memref<80xi32, #tpu.memory_space<vmem>>) semaphore(%arg15 : memref<!tpu.dma_semaphore, #tpu.memory_space<semaphore_mem>>) {add = true}
      %dma_wait3A_83 = arith.constant 0 : i32
      %dma_wait3A_84 = arith.constant 0 : i32
      %dma_wait3A_85 = tpu.memref_slice %arg2[%dma_wait3A_83, %dma_wait3A_84] : memref<10000x128xf32, #tpu.memory_space<hbm>> -> memref<80x128xf32, #tpu.memory_space<hbm>>
      %dma_wait3A_86 = arith.constant 0 : i32
      %dma_wait3A_87 = arith.constant 0 : i32
      %dma_wait3A_88 = tpu.memref_slice %arg2[%dma_wait3A_86, %dma_wait3A_87] : memref<10000x128xf32, #tpu.memory_space<hbm>> -> memref<80x128xf32, #tpu.memory_space<hbm>>
      tpu.wait_dma2 semaphore(%arg14 : memref<!tpu.dma_semaphore, #tpu.memory_space<semaphore_mem>>) src(%dma_wait3A_88 : memref<80x128xf32, #tpu.memory_space<hbm>>) dst(%arg10 : memref<80x128xf32, #tpu.memory_space<vmem>>)
      %add3A_89 = arith.constant 1 : i32
      %add3A_90 = arith.addi %mul3A_70, %add3A_89 : i32
      %dma_start3A_91 = arith.constant 0 : i32
      %dma_start3A_92 = tpu.memref_slice %arg8[%add3A_90, %dma_start3A_91] : memref<125x80xi32, #tpu.memory_space<vmem>> -> memref<1x80xi32, #tpu.memory_space<vmem>>
      %dma_start3A_93 = tpu.memref_squeeze %dma_start3A_92 : memref<1x80xi32, #tpu.memory_space<vmem>> -> memref<80xi32, #tpu.memory_space<vmem>>
      %dma_start3A_94 = arith.constant 0 : i32
      %dma_start3A_95 = arith.constant 0 : i32
      %dma_start3A_96 = tpu.memref_slice %arg11[%dma_start3A_94, %dma_start3A_95] : memref<10240x128xf32, #tpu.memory_space<vmem_shared>> -> memref<10240x128xf32, #tpu.memory_space<vmem_shared>>
      tpu.enqueue_indirect_dma source(%arg10 : memref<80x128xf32, #tpu.memory_space<vmem>>) target(%dma_start3A_96 : memref<10240x128xf32, #tpu.memory_space<vmem_shared>>) offsets(%dma_start3A_93 : memref<80xi32, #tpu.memory_space<vmem>>) semaphore(%arg16 : memref<!tpu.dma_semaphore, #tpu.memory_space<semaphore_mem>>) {add = true}
      %dma_wait3A_97 = arith.constant 0 : i32
      %dma_wait3A_98 = arith.constant 0 : i32
      %dma_wait3A_99 = tpu.memref_slice %arg11[%dma_wait3A_97, %dma_wait3A_98] : memref<10240x128xf32, #tpu.memory_space<vmem_shared>> -> memref<80x128xf32, #tpu.memory_space<vmem_shared>>
      %dma_wait3A_100 = arith.constant 0 : i32
      %dma_wait3A_101 = arith.constant 0 : i32
      %dma_wait3A_102 = tpu.memref_slice %arg11[%dma_wait3A_100, %dma_wait3A_101] : memref<10240x128xf32, #tpu.memory_space<vmem_shared>> -> memref<80x128xf32, #tpu.memory_space<vmem_shared>>
      tpu.wait_dma2 semaphore(%arg15 : memref<!tpu.dma_semaphore, #tpu.memory_space<semaphore_mem>>) src(%arg9 : memref<80x128xf32, #tpu.memory_space<vmem>>) dst(%dma_wait3A_102 : memref<80x128xf32, #tpu.memory_space<vmem_shared>>)
      %add3A_103 = arith.constant 2 : i32
      %add3A_104 = arith.addi %mul3A_70, %add3A_103 : i32
      %mul3A_105 = arith.constant 80 : i32
      %mul3A_106 = arith.muli %add3A_104, %mul3A_105 : i32
      %dma_start3A_107 = tpu.memref_slice %arg7[%mul3A_106] : memref<10000xi32, #tpu.memory_space<vmem>> -> memref<80xi32, #tpu.memory_space<vmem>>
      %dma_start3A_108 = arith.constant 0 : i32
      %dma_start3A_109 = arith.constant 0 : i32
      %dma_start3A_110 = tpu.memref_slice %arg2[%dma_start3A_108, %dma_start3A_109] : memref<10000x128xf32, #tpu.memory_space<hbm>> -> memref<10000x128xf32, #tpu.memory_space<hbm>>
      tpu.enqueue_indirect_dma source(%dma_start3A_110 : memref<10000x128xf32, #tpu.memory_space<hbm>>) target(%arg9 : memref<80x128xf32, #tpu.memory_space<vmem>>) offsets(%dma_start3A_107 : memref<80xi32, #tpu.memory_space<vmem>>) semaphore(%arg13 : memref<!tpu.dma_semaphore, #tpu.memory_space<semaphore_mem>>)
      %dma_wait3A_111 = arith.constant 0 : i32
      %dma_wait3A_112 = arith.constant 0 : i32
      %dma_wait3A_113 = tpu.memref_slice %arg11[%dma_wait3A_111, %dma_wait3A_112] : memref<10240x128xf32, #tpu.memory_space<vmem_shared>> -> memref<80x128xf32, #tpu.memory_space<vmem_shared>>
      %dma_wait3A_114 = arith.constant 0 : i32
      %dma_wait3A_115 = arith.constant 0 : i32
      %dma_wait3A_116 = tpu.memref_slice %arg11[%dma_wait3A_114, %dma_wait3A_115] : memref<10240x128xf32, #tpu.memory_space<vmem_shared>> -> memref<80x128xf32, #tpu.memory_space<vmem_shared>>
      tpu.wait_dma2 semaphore(%arg16 : memref<!tpu.dma_semaphore, #tpu.memory_space<semaphore_mem>>) src(%arg10 : memref<80x128xf32, #tpu.memory_space<vmem>>) dst(%dma_wait3A_116 : memref<80x128xf32, #tpu.memory_space<vmem_shared>>)
      %add3A_117 = arith.constant 3 : i32
      %add3A_118 = arith.addi %mul3A_70, %add3A_117 : i32
      %lt3A = arith.constant 125 : i32
      %lt3A_119 = arith.cmpi slt, %add3A_118, %lt3A : i32
      %convert_element_type3A = arith.extui %lt3A_119 : i1 to i32
      %cond3A = arith.constant 0 : i32
      %cond3A_120 = arith.cmpi ne, %convert_element_type3A, %cond3A : i32
      scf.if %cond3A_120 {
        %add3A_121 = arith.constant 3 : i32
        %add3A_122 = arith.addi %mul3A_70, %add3A_121 : i32
        %mul3A_123 = arith.constant 80 : i32
        %mul3A_124 = arith.muli %add3A_122, %mul3A_123 : i32
        %dma_start3A_125 = tpu.memref_slice %arg7[%mul3A_124] : memref<10000xi32, #tpu.memory_space<vmem>> -> memref<80xi32, #tpu.memory_space<vmem>>
        %dma_start3A_126 = arith.constant 0 : i32
        %dma_start3A_127 = arith.constant 0 : i32
        %dma_start3A_128 = tpu.memref_slice %arg2[%dma_start3A_126, %dma_start3A_127] : memref<10000x128xf32, #tpu.memory_space<hbm>> -> memref<10000x128xf32, #tpu.memory_space<hbm>>
        tpu.enqueue_indirect_dma source(%dma_start3A_128 : memref<10000x128xf32, #tpu.memory_space<hbm>>) target(%arg10 : memref<80x128xf32, #tpu.memory_space<vmem>>) offsets(%dma_start3A_125 : memref<80xi32, #tpu.memory_space<vmem>>) semaphore(%arg14 : memref<!tpu.dma_semaphore, #tpu.memory_space<semaphore_mem>>)
      } else {
      }
    }
    %scan3A_41 = arith.constant 62 : i32
    %dma_wait3A_42 = arith.constant 0 : i32
    %dma_wait3A_43 = arith.constant 0 : i32
    %dma_wait3A_44 = tpu.memref_slice %arg2[%dma_wait3A_42, %dma_wait3A_43] : memref<10000x128xf32, #tpu.memory_space<hbm>> -> memref<80x128xf32, #tpu.memory_space<hbm>>
    %dma_wait3A_45 = arith.constant 0 : i32
    %dma_wait3A_46 = arith.constant 0 : i32
    %dma_wait3A_47 = tpu.memref_slice %arg2[%dma_wait3A_45, %dma_wait3A_46] : memref<10000x128xf32, #tpu.memory_space<hbm>> -> memref<80x128xf32, #tpu.memory_space<hbm>>
    tpu.wait_dma2 semaphore(%arg13 : memref<!tpu.dma_semaphore, #tpu.memory_space<semaphore_mem>>) src(%dma_wait3A_47 : memref<80x128xf32, #tpu.memory_space<hbm>>) dst(%arg9 : memref<80x128xf32, #tpu.memory_space<vmem>>)
    %dma_start3A_48 = arith.constant 124 : i32
    %dma_start3A_49 = arith.constant 0 : i32
    %dma_start3A_50 = tpu.memref_slice %arg8[%dma_start3A_48, %dma_start3A_49] : memref<125x80xi32, #tpu.memory_space<vmem>> -> memref<1x80xi32, #tpu.memory_space<vmem>>
    %dma_start3A_51 = tpu.memref_squeeze %dma_start3A_50 : memref<1x80xi32, #tpu.memory_space<vmem>> -> memref<80xi32, #tpu.memory_space<vmem>>
    %dma_start3A_52 = arith.constant 0 : i32
    %dma_start3A_53 = arith.constant 0 : i32
    %dma_start3A_54 = tpu.memref_slice %arg11[%dma_start3A_52, %dma_start3A_53] : memref<10240x128xf32, #tpu.memory_space<vmem_shared>> -> memref<10240x128xf32, #tpu.memory_space<vmem_shared>>
    tpu.enqueue_indirect_dma source(%arg9 : memref<80x128xf32, #tpu.memory_space<vmem>>) target(%dma_start3A_54 : memref<10240x128xf32, #tpu.memory_space<vmem_shared>>) offsets(%dma_start3A_51 : memref<80xi32, #tpu.memory_space<vmem>>) semaphore(%arg15 : memref<!tpu.dma_semaphore, #tpu.memory_space<semaphore_mem>>) {add = true}
    %dma_wait3A_55 = arith.constant 0 : i32
    %dma_wait3A_56 = arith.constant 0 : i32
    %dma_wait3A_57 = tpu.memref_slice %arg11[%dma_wait3A_55, %dma_wait3A_56] : memref<10240x128xf32, #tpu.memory_space<vmem_shared>> -> memref<80x128xf32, #tpu.memory_space<vmem_shared>>
    %dma_wait3A_58 = arith.constant 0 : i32
    %dma_wait3A_59 = arith.constant 0 : i32
    %dma_wait3A_60 = tpu.memref_slice %arg11[%dma_wait3A_58, %dma_wait3A_59] : memref<10240x128xf32, #tpu.memory_space<vmem_shared>> -> memref<80x128xf32, #tpu.memory_space<vmem_shared>>
    tpu.wait_dma2 semaphore(%arg15 : memref<!tpu.dma_semaphore, #tpu.memory_space<semaphore_mem>>) src(%arg9 : memref<80x128xf32, #tpu.memory_space<vmem>>) dst(%dma_wait3A_60 : memref<80x128xf32, #tpu.memory_space<vmem_shared>>)
    %barrier3A_61 = arith.constant 0 : index
    tpu.barrier barrier_id(%barrier3A_61)
    %scan3A_62 = arith.constant 0 : i32
    %scan3A_63 = arith.constant 0 : i32
    %scan3A_64 = arith.constant 8 : i32
    %scan3A_65 = arith.addi %scan3A_63, %scan3A_64 : i32
    %scan3A_66 = arith.constant 1 : i32
    scf.for %scan3A_68 = %scan3A_63 to %scan3A_65 step %scan3A_66  : i32 {
      %mul3A_69 = arith.constant 640 : i32
      %mul3A_70 = arith.muli %arg1, %mul3A_69 : i32
      %mul3A_71 = arith.constant 80 : i32
      %mul3A_72 = arith.muli %scan3A_68, %mul3A_71 : i32
      %add3A_73 = arith.addi %mul3A_70, %mul3A_72 : i32
      "tpu.region"() ({
        %run_scoped3A = tpu.sem_alloc : memref<!tpu.dma_semaphore, #tpu.memory_space<semaphore_mem>>
        %dma_start3A_74 = arith.constant 0 : i32
        %dma_start3A_75 = tpu.memref_slice %arg11[%add3A_73, %dma_start3A_74] : memref<10240x128xf32, #tpu.memory_space<vmem_shared>> -> memref<80x128xf32, #tpu.memory_space<vmem_shared>>
        %dma_start3A_76 = arith.constant 0 : i32
        %dma_start3A_77 = tpu.memref_slice %arg11[%add3A_73, %dma_start3A_76] : memref<10240x128xf32, #tpu.memory_space<vmem_shared>> -> memref<80x128xf32, #tpu.memory_space<vmem_shared>>
        tpu.enqueue_dma source(%dma_start3A_77 : memref<80x128xf32, #tpu.memory_space<vmem_shared>>) target(%arg9 : memref<80x128xf32, #tpu.memory_space<vmem>>) target_semaphore(%run_scoped3A : memref<!tpu.dma_semaphore, #tpu.memory_space<semaphore_mem>>)
        %dma_wait3A_78 = arith.constant 0 : i32
        %dma_wait3A_79 = tpu.memref_slice %arg11[%add3A_73, %dma_wait3A_78] : memref<10240x128xf32, #tpu.memory_space<vmem_shared>> -> memref<80x128xf32, #tpu.memory_space<vmem_shared>>
        %dma_wait3A_80 = arith.constant 0 : i32
        %dma_wait3A_81 = tpu.memref_slice %arg11[%add3A_73, %dma_wait3A_80] : memref<10240x128xf32, #tpu.memory_space<vmem_shared>> -> memref<80x128xf32, #tpu.memory_space<vmem_shared>>
        tpu.wait_dma2 semaphore(%run_scoped3A : memref<!tpu.dma_semaphore, #tpu.memory_space<semaphore_mem>>) src(%dma_wait3A_81 : memref<80x128xf32, #tpu.memory_space<vmem_shared>>) dst(%arg9 : memref<80x128xf32, #tpu.memory_space<vmem>>)
        tpu.yield
      }) : () -> ()
      "tpu.region"() ({
        %run_scoped3A = tpu.sem_alloc : memref<!tpu.dma_semaphore, #tpu.memory_space<semaphore_mem>>
        %dma_start3A_74 = arith.constant 0 : i32
        %dma_start3A_75 = tpu.memref_slice %arg6[%arg0, %add3A_73, %dma_start3A_74] : memref<2x10240x128xf32, #tpu.memory_space<hbm>> -> memref<1x80x128xf32, #tpu.memory_space<hbm>>
        %dma_start3A_76 = tpu.memref_squeeze %dma_start3A_75 : memref<1x80x128xf32, #tpu.memory_space<hbm>> -> memref<80x128xf32, #tpu.memory_space<hbm>>
        %dma_start3A_77 = arith.constant 0 : i32
        %dma_start3A_78 = tpu.memref_slice %arg6[%arg0, %add3A_73, %dma_start3A_77] : memref<2x10240x128xf32, #tpu.memory_space<hbm>> -> memref<1x80x128xf32, #tpu.memory_space<hbm>>
        %dma_start3A_79 = tpu.memref_squeeze %dma_start3A_78 : memref<1x80x128xf32, #tpu.memory_space<hbm>> -> memref<80x128xf32, #tpu.memory_space<hbm>>
        tpu.enqueue_dma source(%arg9 : memref<80x128xf32, #tpu.memory_space<vmem>>) target(%dma_start3A_79 : memref<80x128xf32, #tpu.memory_space<hbm>>) target_semaphore(%run_scoped3A : memref<!tpu.dma_semaphore, #tpu.memory_space<semaphore_mem>>)
        %dma_wait3A_80 = arith.constant 0 : i32
        %dma_wait3A_81 = tpu.memref_slice %arg6[%arg0, %add3A_73, %dma_wait3A_80] : memref<2x10240x128xf32, #tpu.memory_space<hbm>> -> memref<1x80x128xf32, #tpu.memory_space<hbm>>
        %dma_wait3A_82 = tpu.memref_squeeze %dma_wait3A_81 : memref<1x80x128xf32, #tpu.memory_space<hbm>> -> memref<80x128xf32, #tpu.memory_space<hbm>>
        %dma_wait3A_83 = arith.constant 0 : i32
        %dma_wait3A_84 = tpu.memref_slice %arg6[%arg0, %add3A_73, %dma_wait3A_83] : memref<2x10240x128xf32, #tpu.memory_space<hbm>> -> memref<1x80x128xf32, #tpu.memory_space<hbm>>
        %dma_wait3A_85 = tpu.memref_squeeze %dma_wait3A_84 : memref<1x80x128xf32, #tpu.memory_space<hbm>> -> memref<80x128xf32, #tpu.memory_space<hbm>>
        tpu.wait_dma2 semaphore(%run_scoped3A : memref<!tpu.dma_semaphore, #tpu.memory_space<semaphore_mem>>) src(%arg9 : memref<80x128xf32, #tpu.memory_space<vmem>>) dst(%dma_wait3A_85 : memref<80x128xf32, #tpu.memory_space<hbm>>)
        tpu.yield
      }) : () -> ()
    }
    %scan3A_67 = arith.constant 8 : i32
    return
  }
}

#map = affine_map<(d0, d1) -> (0, 0)>
#map1 = affine_map<(d0, d1) -> (0)>
#map2 = affine_map<(d0, d1) -> (0, 0, 0)>
module attributes {stable_mosaic.version = 14 : i64} {
  func.func @_sc_segsum_body(%arg0: i32, %arg1: i32, %arg2: memref<10000x128xf32, #tpu.memory_space<hbm>>, %arg3: memref<320000xi32, #tpu.memory_space<hbm>>, %arg4: memref<32x125x80xi32, #tpu.memory_space<hbm>>, %arg5: memref<80x128xf32, #tpu.memory_space<hbm>>, %arg6: memref<2x10240x128xf32, #tpu.memory_space<hbm>>, %arg7: memref<10000xi32, #tpu.memory_space<vmem>>, %arg8: memref<125x80xi32, #tpu.memory_space<vmem>>, %arg9: memref<80x128xf32, #tpu.memory_space<vmem>>, %arg10: memref<80x128xf32, #tpu.memory_space<vmem>>, %arg11: memref<10240x128xf32, #tpu.memory_space<vmem_shared>>, %arg12: memref<!tpu.dma_semaphore, #tpu.memory_space<semaphore_mem>>, %arg13: memref<!tpu.dma_semaphore, #tpu.memory_space<semaphore_mem>>, %arg14: memref<!tpu.dma_semaphore, #tpu.memory_space<semaphore_mem>>, %arg15: memref<!tpu.dma_semaphore, #tpu.memory_space<semaphore_mem>>, %arg16: memref<!tpu.dma_semaphore, #tpu.memory_space<semaphore_mem>>) attributes {dimension_semantics = [#tpu.dimension_semantics<core_parallel>, #tpu.dimension_semantics<subcore_parallel>], iteration_bounds = array<i64: 2, 16>, scalar_prefetch = 0 : i64, scratch_operands = 10 : i64, tpu.core_type = #tpu.core_type<sc_vector_subcore>, window_params = [{transform_indices = #map}, {transform_indices = #map1}, {transform_indices = #map2}, {transform_indices = #map}, {transform_indices = #map2}]} {
    %mul3A = arith.constant 2 : i32
    %mul3A_0 = arith.muli %arg1, %mul3A : i32
    %add3A = arith.addi %mul3A_0, %arg0 : i32
    %mul3A_1 = arith.constant 10000 : i32
    %mul3A_2 = arith.muli %add3A, %mul3A_1 : i32
    %multiple_of3A = tpu.assume_multiple %mul3A_2, 8 : i32
    %dma_start3A = tpu.memref_slice %arg3[%multiple_of3A] : memref<320000xi32, #tpu.memory_space<hbm>> -> memref<10000xi32, #tpu.memory_space<hbm>>
    %dma_start3A_3 = tpu.memref_slice %arg3[%multiple_of3A] : memref<320000xi32, #tpu.memory_space<hbm>> -> memref<10000xi32, #tpu.memory_space<hbm>>
    tpu.enqueue_dma source(%dma_start3A_3 : memref<10000xi32, #tpu.memory_space<hbm>>) target(%arg7 : memref<10000xi32, #tpu.memory_space<vmem>>) target_semaphore(%arg12 : memref<!tpu.dma_semaphore, #tpu.memory_space<semaphore_mem>>)
    %dma_start3A_4 = arith.constant 0 : i32
    %dma_start3A_5 = arith.constant 0 : i32
    %dma_start3A_6 = tpu.memref_slice %arg4[%add3A, %dma_start3A_4, %dma_start3A_5] : memref<32x125x80xi32, #tpu.memory_space<hbm>> -> memref<1x125x80xi32, #tpu.memory_space<hbm>>
    %dma_start3A_7 = tpu.memref_squeeze %dma_start3A_6 : memref<1x125x80xi32, #tpu.memory_space<hbm>> -> memref<125x80xi32, #tpu.memory_space<hbm>>
    %dma_start3A_8 = arith.constant 0 : i32
    %dma_start3A_9 = arith.constant 0 : i32
    %dma_start3A_10 = tpu.memref_slice %arg4[%add3A, %dma_start3A_8, %dma_start3A_9] : memref<32x125x80xi32, #tpu.memory_space<hbm>> -> memref<1x125x80xi32, #tpu.memory_space<hbm>>
    %dma_start3A_11 = tpu.memref_squeeze %dma_start3A_10 : memref<1x125x80xi32, #tpu.memory_space<hbm>> -> memref<125x80xi32, #tpu.memory_space<hbm>>
    tpu.enqueue_dma source(%dma_start3A_11 : memref<125x80xi32, #tpu.memory_space<hbm>>) target(%arg8 : memref<125x80xi32, #tpu.memory_space<vmem>>) target_semaphore(%arg12 : memref<!tpu.dma_semaphore, #tpu.memory_space<semaphore_mem>>)
    "tpu.region"() ({
      %run_scoped3A = tpu.sem_alloc : memref<!tpu.dma_semaphore, #tpu.memory_space<semaphore_mem>>
      tpu.enqueue_dma source(%arg5 : memref<80x128xf32, #tpu.memory_space<hbm>>) target(%arg9 : memref<80x128xf32, #tpu.memory_space<vmem>>) target_semaphore(%run_scoped3A : memref<!tpu.dma_semaphore, #tpu.memory_space<semaphore_mem>>)
      tpu.wait_dma2 semaphore(%run_scoped3A : memref<!tpu.dma_semaphore, #tpu.memory_space<semaphore_mem>>) src(%arg5 : memref<80x128xf32, #tpu.memory_space<hbm>>) dst(%arg9 : memref<80x128xf32, #tpu.memory_space<vmem>>)
      tpu.yield
    }) : () -> ()
    %scan3A = arith.constant 0 : i32
    %scan3A_12 = arith.constant 0 : i32
    %scan3A_13 = arith.constant 8 : i32
    %scan3A_14 = arith.addi %scan3A_12, %scan3A_13 : i32
    %scan3A_15 = arith.constant 1 : i32
    scf.for %scan3A_68 = %scan3A_12 to %scan3A_14 step %scan3A_15  : i32 {
      %mul3A_69 = arith.constant 640 : i32
      %mul3A_70 = arith.muli %arg1, %mul3A_69 : i32
      %mul3A_71 = arith.constant 80 : i32
      %mul3A_72 = arith.muli %scan3A_68, %mul3A_71 : i32
      %add3A_73 = arith.addi %mul3A_70, %mul3A_72 : i32
      "tpu.region"() ({
        %run_scoped3A = tpu.sem_alloc : memref<!tpu.dma_semaphore, #tpu.memory_space<semaphore_mem>>
        %dma_start3A_74 = arith.constant 0 : i32
        %dma_start3A_75 = tpu.memref_slice %arg11[%add3A_73, %dma_start3A_74] : memref<10240x128xf32, #tpu.memory_space<vmem_shared>> -> memref<80x128xf32, #tpu.memory_space<vmem_shared>>
        %dma_start3A_76 = arith.constant 0 : i32
        %dma_start3A_77 = tpu.memref_slice %arg11[%add3A_73, %dma_start3A_76] : memref<10240x128xf32, #tpu.memory_space<vmem_shared>> -> memref<80x128xf32, #tpu.memory_space<vmem_shared>>
        tpu.enqueue_dma source(%arg9 : memref<80x128xf32, #tpu.memory_space<vmem>>) target(%dma_start3A_77 : memref<80x128xf32, #tpu.memory_space<vmem_shared>>) target_semaphore(%run_scoped3A : memref<!tpu.dma_semaphore, #tpu.memory_space<semaphore_mem>>)
        %dma_wait3A_78 = arith.constant 0 : i32
        %dma_wait3A_79 = tpu.memref_slice %arg11[%add3A_73, %dma_wait3A_78] : memref<10240x128xf32, #tpu.memory_space<vmem_shared>> -> memref<80x128xf32, #tpu.memory_space<vmem_shared>>
        %dma_wait3A_80 = arith.constant 0 : i32
        %dma_wait3A_81 = tpu.memref_slice %arg11[%add3A_73, %dma_wait3A_80] : memref<10240x128xf32, #tpu.memory_space<vmem_shared>> -> memref<80x128xf32, #tpu.memory_space<vmem_shared>>
        tpu.wait_dma2 semaphore(%run_scoped3A : memref<!tpu.dma_semaphore, #tpu.memory_space<semaphore_mem>>) src(%arg9 : memref<80x128xf32, #tpu.memory_space<vmem>>) dst(%dma_wait3A_81 : memref<80x128xf32, #tpu.memory_space<vmem_shared>>)
        tpu.yield
      }) : () -> ()
    }
    %scan3A_16 = arith.constant 8 : i32
    %dma_wait3A = tpu.memref_slice %arg3[%multiple_of3A] : memref<320000xi32, #tpu.memory_space<hbm>> -> memref<10000xi32, #tpu.memory_space<hbm>>
    %dma_wait3A_17 = tpu.memref_slice %arg3[%multiple_of3A] : memref<320000xi32, #tpu.memory_space<hbm>> -> memref<10000xi32, #tpu.memory_space<hbm>>
    tpu.wait_dma2 semaphore(%arg12 : memref<!tpu.dma_semaphore, #tpu.memory_space<semaphore_mem>>) src(%dma_wait3A_17 : memref<10000xi32, #tpu.memory_space<hbm>>) dst(%arg7 : memref<10000xi32, #tpu.memory_space<vmem>>)
    %dma_wait3A_18 = arith.constant 0 : i32
    %dma_wait3A_19 = arith.constant 0 : i32
    %dma_wait3A_20 = tpu.memref_slice %arg4[%add3A, %dma_wait3A_18, %dma_wait3A_19] : memref<32x125x80xi32, #tpu.memory_space<hbm>> -> memref<1x125x80xi32, #tpu.memory_space<hbm>>
    %dma_wait3A_21 = tpu.memref_squeeze %dma_wait3A_20 : memref<1x125x80xi32, #tpu.memory_space<hbm>> -> memref<125x80xi32, #tpu.memory_space<hbm>>
    %dma_wait3A_22 = arith.constant 0 : i32
    %dma_wait3A_23 = arith.constant 0 : i32
    %dma_wait3A_24 = tpu.memref_slice %arg4[%add3A, %dma_wait3A_22, %dma_wait3A_23] : memref<32x125x80xi32, #tpu.memory_space<hbm>> -> memref<1x125x80xi32, #tpu.memory_space<hbm>>
    %dma_wait3A_25 = tpu.memref_squeeze %dma_wait3A_24 : memref<1x125x80xi32, #tpu.memory_space<hbm>> -> memref<125x80xi32, #tpu.memory_space<hbm>>
    tpu.wait_dma2 semaphore(%arg12 : memref<!tpu.dma_semaphore, #tpu.memory_space<semaphore_mem>>) src(%dma_wait3A_25 : memref<125x80xi32, #tpu.memory_space<hbm>>) dst(%arg8 : memref<125x80xi32, #tpu.memory_space<vmem>>)
    %barrier3A = arith.constant 0 : index
    tpu.barrier barrier_id(%barrier3A)
    %dma_start3A_26 = arith.constant 0 : i32
    %dma_start3A_27 = tpu.memref_slice %arg7[%dma_start3A_26] : memref<10000xi32, #tpu.memory_space<vmem>> -> memref<80xi32, #tpu.memory_space<vmem>>
    %dma_start3A_28 = arith.constant 0 : i32
    %dma_start3A_29 = arith.constant 0 : i32
    %dma_start3A_30 = tpu.memref_slice %arg2[%dma_start3A_28, %dma_start3A_29] : memref<10000x128xf32, #tpu.memory_space<hbm>> -> memref<10000x128xf32, #tpu.memory_space<hbm>>
    tpu.enqueue_indirect_dma source(%dma_start3A_30 : memref<10000x128xf32, #tpu.memory_space<hbm>>) target(%arg9 : memref<80x128xf32, #tpu.memory_space<vmem>>) offsets(%dma_start3A_27 : memref<80xi32, #tpu.memory_space<vmem>>) semaphore(%arg13 : memref<!tpu.dma_semaphore, #tpu.memory_space<semaphore_mem>>)
    %dma_start3A_31 = arith.constant 80 : i32
    %dma_start3A_32 = tpu.memref_slice %arg7[%dma_start3A_31] : memref<10000xi32, #tpu.memory_space<vmem>> -> memref<80xi32, #tpu.memory_space<vmem>>
    %dma_start3A_33 = arith.constant 0 : i32
    %dma_start3A_34 = arith.constant 0 : i32
    %dma_start3A_35 = tpu.memref_slice %arg2[%dma_start3A_33, %dma_start3A_34] : memref<10000x128xf32, #tpu.memory_space<hbm>> -> memref<10000x128xf32, #tpu.memory_space<hbm>>
    tpu.enqueue_indirect_dma source(%dma_start3A_35 : memref<10000x128xf32, #tpu.memory_space<hbm>>) target(%arg10 : memref<80x128xf32, #tpu.memory_space<vmem>>) offsets(%dma_start3A_32 : memref<80xi32, #tpu.memory_space<vmem>>) semaphore(%arg14 : memref<!tpu.dma_semaphore, #tpu.memory_space<semaphore_mem>>)
    %scan3A_36 = arith.constant 0 : i32
    %scan3A_37 = arith.constant 0 : i32
    %scan3A_38 = arith.constant 62 : i32
    %scan3A_39 = arith.addi %scan3A_37, %scan3A_38 : i32
    %scan3A_40 = arith.constant 1 : i32
    scf.for %scan3A_68 = %scan3A_37 to %scan3A_39 step %scan3A_40  : i32 {
      %mul3A_69 = arith.constant 2 : i32
      %mul3A_70 = arith.muli %scan3A_68, %mul3A_69 : i32
      %dma_wait3A_71 = arith.constant 0 : i32
      %dma_wait3A_72 = arith.constant 0 : i32
      %dma_wait3A_73 = tpu.memref_slice %arg2[%dma_wait3A_71, %dma_wait3A_72] : memref<10000x128xf32, #tpu.memory_space<hbm>> -> memref<80x128xf32, #tpu.memory_space<hbm>>
      %dma_wait3A_74 = arith.constant 0 : i32
      %dma_wait3A_75 = arith.constant 0 : i32
      %dma_wait3A_76 = tpu.memref_slice %arg2[%dma_wait3A_74, %dma_wait3A_75] : memref<10000x128xf32, #tpu.memory_space<hbm>> -> memref<80x128xf32, #tpu.memory_space<hbm>>
      tpu.wait_dma2 semaphore(%arg13 : memref<!tpu.dma_semaphore, #tpu.memory_space<semaphore_mem>>) src(%dma_wait3A_76 : memref<80x128xf32, #tpu.memory_space<hbm>>) dst(%arg9 : memref<80x128xf32, #tpu.memory_space<vmem>>)
      %dma_start3A_77 = arith.constant 0 : i32
      %dma_start3A_78 = tpu.memref_slice %arg8[%mul3A_70, %dma_start3A_77] : memref<125x80xi32, #tpu.memory_space<vmem>> -> memref<1x80xi32, #tpu.memory_space<vmem>>
      %dma_start3A_79 = tpu.memref_squeeze %dma_start3A_78 : memref<1x80xi32, #tpu.memory_space<vmem>> -> memref<80xi32, #tpu.memory_space<vmem>>
      %dma_start3A_80 = arith.constant 0 : i32
      %dma_start3A_81 = arith.constant 0 : i32
      %dma_start3A_82 = tpu.memref_slice %arg11[%dma_start3A_80, %dma_start3A_81] : memref<10240x128xf32, #tpu.memory_space<vmem_shared>> -> memref<10240x128xf32, #tpu.memory_space<vmem_shared>>
      tpu.enqueue_indirect_dma source(%arg9 : memref<80x128xf32, #tpu.memory_space<vmem>>) target(%dma_start3A_82 : memref<10240x128xf32, #tpu.memory_space<vmem_shared>>) offsets(%dma_start3A_79 : memref<80xi32, #tpu.memory_space<vmem>>) semaphore(%arg15 : memref<!tpu.dma_semaphore, #tpu.memory_space<semaphore_mem>>) {add = true}
      %dma_wait3A_83 = arith.constant 0 : i32
      %dma_wait3A_84 = arith.constant 0 : i32
      %dma_wait3A_85 = tpu.memref_slice %arg2[%dma_wait3A_83, %dma_wait3A_84] : memref<10000x128xf32, #tpu.memory_space<hbm>> -> memref<80x128xf32, #tpu.memory_space<hbm>>
      %dma_wait3A_86 = arith.constant 0 : i32
      %dma_wait3A_87 = arith.constant 0 : i32
      %dma_wait3A_88 = tpu.memref_slice %arg2[%dma_wait3A_86, %dma_wait3A_87] : memref<10000x128xf32, #tpu.memory_space<hbm>> -> memref<80x128xf32, #tpu.memory_space<hbm>>
      tpu.wait_dma2 semaphore(%arg14 : memref<!tpu.dma_semaphore, #tpu.memory_space<semaphore_mem>>) src(%dma_wait3A_88 : memref<80x128xf32, #tpu.memory_space<hbm>>) dst(%arg10 : memref<80x128xf32, #tpu.memory_space<vmem>>)
      %add3A_89 = arith.constant 1 : i32
      %add3A_90 = arith.addi %mul3A_70, %add3A_89 : i32
      %dma_start3A_91 = arith.constant 0 : i32
      %dma_start3A_92 = tpu.memref_slice %arg8[%add3A_90, %dma_start3A_91] : memref<125x80xi32, #tpu.memory_space<vmem>> -> memref<1x80xi32, #tpu.memory_space<vmem>>
      %dma_start3A_93 = tpu.memref_squeeze %dma_start3A_92 : memref<1x80xi32, #tpu.memory_space<vmem>> -> memref<80xi32, #tpu.memory_space<vmem>>
      %dma_start3A_94 = arith.constant 0 : i32
      %dma_start3A_95 = arith.constant 0 : i32
      %dma_start3A_96 = tpu.memref_slice %arg11[%dma_start3A_94, %dma_start3A_95] : memref<10240x128xf32, #tpu.memory_space<vmem_shared>> -> memref<10240x128xf32, #tpu.memory_space<vmem_shared>>
      tpu.enqueue_indirect_dma source(%arg10 : memref<80x128xf32, #tpu.memory_space<vmem>>) target(%dma_start3A_96 : memref<10240x128xf32, #tpu.memory_space<vmem_shared>>) offsets(%dma_start3A_93 : memref<80xi32, #tpu.memory_space<vmem>>) semaphore(%arg16 : memref<!tpu.dma_semaphore, #tpu.memory_space<semaphore_mem>>) {add = true}
      %dma_wait3A_97 = arith.constant 0 : i32
      %dma_wait3A_98 = arith.constant 0 : i32
      %dma_wait3A_99 = tpu.memref_slice %arg11[%dma_wait3A_97, %dma_wait3A_98] : memref<10240x128xf32, #tpu.memory_space<vmem_shared>> -> memref<80x128xf32, #tpu.memory_space<vmem_shared>>
      %dma_wait3A_100 = arith.constant 0 : i32
      %dma_wait3A_101 = arith.constant 0 : i32
      %dma_wait3A_102 = tpu.memref_slice %arg11[%dma_wait3A_100, %dma_wait3A_101] : memref<10240x128xf32, #tpu.memory_space<vmem_shared>> -> memref<80x128xf32, #tpu.memory_space<vmem_shared>>
      tpu.wait_dma2 semaphore(%arg15 : memref<!tpu.dma_semaphore, #tpu.memory_space<semaphore_mem>>) src(%arg9 : memref<80x128xf32, #tpu.memory_space<vmem>>) dst(%dma_wait3A_102 : memref<80x128xf32, #tpu.memory_space<vmem_shared>>)
      %add3A_103 = arith.constant 2 : i32
      %add3A_104 = arith.addi %mul3A_70, %add3A_103 : i32
      %mul3A_105 = arith.constant 80 : i32
      %mul3A_106 = arith.muli %add3A_104, %mul3A_105 : i32
      %dma_start3A_107 = tpu.memref_slice %arg7[%mul3A_106] : memref<10000xi32, #tpu.memory_space<vmem>> -> memref<80xi32, #tpu.memory_space<vmem>>
      %dma_start3A_108 = arith.constant 0 : i32
      %dma_start3A_109 = arith.constant 0 : i32
      %dma_start3A_110 = tpu.memref_slice %arg2[%dma_start3A_108, %dma_start3A_109] : memref<10000x128xf32, #tpu.memory_space<hbm>> -> memref<10000x128xf32, #tpu.memory_space<hbm>>
      tpu.enqueue_indirect_dma source(%dma_start3A_110 : memref<10000x128xf32, #tpu.memory_space<hbm>>) target(%arg9 : memref<80x128xf32, #tpu.memory_space<vmem>>) offsets(%dma_start3A_107 : memref<80xi32, #tpu.memory_space<vmem>>) semaphore(%arg13 : memref<!tpu.dma_semaphore, #tpu.memory_space<semaphore_mem>>)
      %dma_wait3A_111 = arith.constant 0 : i32
      %dma_wait3A_112 = arith.constant 0 : i32
      %dma_wait3A_113 = tpu.memref_slice %arg11[%dma_wait3A_111, %dma_wait3A_112] : memref<10240x128xf32, #tpu.memory_space<vmem_shared>> -> memref<80x128xf32, #tpu.memory_space<vmem_shared>>
      %dma_wait3A_114 = arith.constant 0 : i32
      %dma_wait3A_115 = arith.constant 0 : i32
      %dma_wait3A_116 = tpu.memref_slice %arg11[%dma_wait3A_114, %dma_wait3A_115] : memref<10240x128xf32, #tpu.memory_space<vmem_shared>> -> memref<80x128xf32, #tpu.memory_space<vmem_shared>>
      tpu.wait_dma2 semaphore(%arg16 : memref<!tpu.dma_semaphore, #tpu.memory_space<semaphore_mem>>) src(%arg10 : memref<80x128xf32, #tpu.memory_space<vmem>>) dst(%dma_wait3A_116 : memref<80x128xf32, #tpu.memory_space<vmem_shared>>)
      %add3A_117 = arith.constant 3 : i32
      %add3A_118 = arith.addi %mul3A_70, %add3A_117 : i32
      %lt3A = arith.constant 125 : i32
      %lt3A_119 = arith.cmpi slt, %add3A_118, %lt3A : i32
      %convert_element_type3A = arith.extui %lt3A_119 : i1 to i32
      %cond3A = arith.constant 0 : i32
      %cond3A_120 = arith.cmpi ne, %convert_element_type3A, %cond3A : i32
      scf.if %cond3A_120 {
        %add3A_121 = arith.constant 3 : i32
        %add3A_122 = arith.addi %mul3A_70, %add3A_121 : i32
        %mul3A_123 = arith.constant 80 : i32
        %mul3A_124 = arith.muli %add3A_122, %mul3A_123 : i32
        %dma_start3A_125 = tpu.memref_slice %arg7[%mul3A_124] : memref<10000xi32, #tpu.memory_space<vmem>> -> memref<80xi32, #tpu.memory_space<vmem>>
        %dma_start3A_126 = arith.constant 0 : i32
        %dma_start3A_127 = arith.constant 0 : i32
        %dma_start3A_128 = tpu.memref_slice %arg2[%dma_start3A_126, %dma_start3A_127] : memref<10000x128xf32, #tpu.memory_space<hbm>> -> memref<10000x128xf32, #tpu.memory_space<hbm>>
        tpu.enqueue_indirect_dma source(%dma_start3A_128 : memref<10000x128xf32, #tpu.memory_space<hbm>>) target(%arg10 : memref<80x128xf32, #tpu.memory_space<vmem>>) offsets(%dma_start3A_125 : memref<80xi32, #tpu.memory_space<vmem>>) semaphore(%arg14 : memref<!tpu.dma_semaphore, #tpu.memory_space<semaphore_mem>>)
      } else {
      }
    }
    %scan3A_41 = arith.constant 62 : i32
    %dma_wait3A_42 = arith.constant 0 : i32
    %dma_wait3A_43 = arith.constant 0 : i32
    %dma_wait3A_44 = tpu.memref_slice %arg2[%dma_wait3A_42, %dma_wait3A_43] : memref<10000x128xf32, #tpu.memory_space<hbm>> -> memref<80x128xf32, #tpu.memory_space<hbm>>
    %dma_wait3A_45 = arith.constant 0 : i32
    %dma_wait3A_46 = arith.constant 0 : i32
    %dma_wait3A_47 = tpu.memref_slice %arg2[%dma_wait3A_45, %dma_wait3A_46] : memref<10000x128xf32, #tpu.memory_space<hbm>> -> memref<80x128xf32, #tpu.memory_space<hbm>>
    tpu.wait_dma2 semaphore(%arg13 : memref<!tpu.dma_semaphore, #tpu.memory_space<semaphore_mem>>) src(%dma_wait3A_47 : memref<80x128xf32, #tpu.memory_space<hbm>>) dst(%arg9 : memref<80x128xf32, #tpu.memory_space<vmem>>)
    %dma_start3A_48 = arith.constant 124 : i32
    %dma_start3A_49 = arith.constant 0 : i32
    %dma_start3A_50 = tpu.memref_slice %arg8[%dma_start3A_48, %dma_start3A_49] : memref<125x80xi32, #tpu.memory_space<vmem>> -> memref<1x80xi32, #tpu.memory_space<vmem>>
    %dma_start3A_51 = tpu.memref_squeeze %dma_start3A_50 : memref<1x80xi32, #tpu.memory_space<vmem>> -> memref<80xi32, #tpu.memory_space<vmem>>
    %dma_start3A_52 = arith.constant 0 : i32
    %dma_start3A_53 = arith.constant 0 : i32
    %dma_start3A_54 = tpu.memref_slice %arg11[%dma_start3A_52, %dma_start3A_53] : memref<10240x128xf32, #tpu.memory_space<vmem_shared>> -> memref<10240x128xf32, #tpu.memory_space<vmem_shared>>
    tpu.enqueue_indirect_dma source(%arg9 : memref<80x128xf32, #tpu.memory_space<vmem>>) target(%dma_start3A_54 : memref<10240x128xf32, #tpu.memory_space<vmem_shared>>) offsets(%dma_start3A_51 : memref<80xi32, #tpu.memory_space<vmem>>) semaphore(%arg15 : memref<!tpu.dma_semaphore, #tpu.memory_space<semaphore_mem>>) {add = true}
    %dma_wait3A_55 = arith.constant 0 : i32
    %dma_wait3A_56 = arith.constant 0 : i32
    %dma_wait3A_57 = tpu.memref_slice %arg11[%dma_wait3A_55, %dma_wait3A_56] : memref<10240x128xf32, #tpu.memory_space<vmem_shared>> -> memref<80x128xf32, #tpu.memory_space<vmem_shared>>
    %dma_wait3A_58 = arith.constant 0 : i32
    %dma_wait3A_59 = arith.constant 0 : i32
    %dma_wait3A_60 = tpu.memref_slice %arg11[%dma_wait3A_58, %dma_wait3A_59] : memref<10240x128xf32, #tpu.memory_space<vmem_shared>> -> memref<80x128xf32, #tpu.memory_space<vmem_shared>>
    tpu.wait_dma2 semaphore(%arg15 : memref<!tpu.dma_semaphore, #tpu.memory_space<semaphore_mem>>) src(%arg9 : memref<80x128xf32, #tpu.memory_space<vmem>>) dst(%dma_wait3A_60 : memref<80x128xf32, #tpu.memory_space<vmem_shared>>)
    %barrier3A_61 = arith.constant 0 : index
    tpu.barrier barrier_id(%barrier3A_61)
    %scan3A_62 = arith.constant 0 : i32
    %scan3A_63 = arith.constant 0 : i32
    %scan3A_64 = arith.constant 8 : i32
    %scan3A_65 = arith.addi %scan3A_63, %scan3A_64 : i32
    %scan3A_66 = arith.constant 1 : i32
    scf.for %scan3A_68 = %scan3A_63 to %scan3A_65 step %scan3A_66  : i32 {
      %mul3A_69 = arith.constant 640 : i32
      %mul3A_70 = arith.muli %arg1, %mul3A_69 : i32
      %mul3A_71 = arith.constant 80 : i32
      %mul3A_72 = arith.muli %scan3A_68, %mul3A_71 : i32
      %add3A_73 = arith.addi %mul3A_70, %mul3A_72 : i32
      "tpu.region"() ({
        %run_scoped3A = tpu.sem_alloc : memref<!tpu.dma_semaphore, #tpu.memory_space<semaphore_mem>>
        %dma_start3A_74 = arith.constant 0 : i32
        %dma_start3A_75 = tpu.memref_slice %arg11[%add3A_73, %dma_start3A_74] : memref<10240x128xf32, #tpu.memory_space<vmem_shared>> -> memref<80x128xf32, #tpu.memory_space<vmem_shared>>
        %dma_start3A_76 = arith.constant 0 : i32
        %dma_start3A_77 = tpu.memref_slice %arg11[%add3A_73, %dma_start3A_76] : memref<10240x128xf32, #tpu.memory_space<vmem_shared>> -> memref<80x128xf32, #tpu.memory_space<vmem_shared>>
        tpu.enqueue_dma source(%dma_start3A_77 : memref<80x128xf32, #tpu.memory_space<vmem_shared>>) target(%arg9 : memref<80x128xf32, #tpu.memory_space<vmem>>) target_semaphore(%run_scoped3A : memref<!tpu.dma_semaphore, #tpu.memory_space<semaphore_mem>>)
        %dma_wait3A_78 = arith.constant 0 : i32
        %dma_wait3A_79 = tpu.memref_slice %arg11[%add3A_73, %dma_wait3A_78] : memref<10240x128xf32, #tpu.memory_space<vmem_shared>> -> memref<80x128xf32, #tpu.memory_space<vmem_shared>>
        %dma_wait3A_80 = arith.constant 0 : i32
        %dma_wait3A_81 = tpu.memref_slice %arg11[%add3A_73, %dma_wait3A_80] : memref<10240x128xf32, #tpu.memory_space<vmem_shared>> -> memref<80x128xf32, #tpu.memory_space<vmem_shared>>
        tpu.wait_dma2 semaphore(%run_scoped3A : memref<!tpu.dma_semaphore, #tpu.memory_space<semaphore_mem>>) src(%dma_wait3A_81 : memref<80x128xf32, #tpu.memory_space<vmem_shared>>) dst(%arg9 : memref<80x128xf32, #tpu.memory_space<vmem>>)
        tpu.yield
      }) : () -> ()
      "tpu.region"() ({
        %run_scoped3A = tpu.sem_alloc : memref<!tpu.dma_semaphore, #tpu.memory_space<semaphore_mem>>
        %dma_start3A_74 = arith.constant 0 : i32
        %dma_start3A_75 = tpu.memref_slice %arg6[%arg0, %add3A_73, %dma_start3A_74] : memref<2x10240x128xf32, #tpu.memory_space<hbm>> -> memref<1x80x128xf32, #tpu.memory_space<hbm>>
        %dma_start3A_76 = tpu.memref_squeeze %dma_start3A_75 : memref<1x80x128xf32, #tpu.memory_space<hbm>> -> memref<80x128xf32, #tpu.memory_space<hbm>>
        %dma_start3A_77 = arith.constant 0 : i32
        %dma_start3A_78 = tpu.memref_slice %arg6[%arg0, %add3A_73, %dma_start3A_77] : memref<2x10240x128xf32, #tpu.memory_space<hbm>> -> memref<1x80x128xf32, #tpu.memory_space<hbm>>
        %dma_start3A_79 = tpu.memref_squeeze %dma_start3A_78 : memref<1x80x128xf32, #tpu.memory_space<hbm>> -> memref<80x128xf32, #tpu.memory_space<hbm>>
        tpu.enqueue_dma source(%arg9 : memref<80x128xf32, #tpu.memory_space<vmem>>) target(%dma_start3A_79 : memref<80x128xf32, #tpu.memory_space<hbm>>) target_semaphore(%run_scoped3A : memref<!tpu.dma_semaphore, #tpu.memory_space<semaphore_mem>>)
        %dma_wait3A_80 = arith.constant 0 : i32
        %dma_wait3A_81 = tpu.memref_slice %arg6[%arg0, %add3A_73, %dma_wait3A_80] : memref<2x10240x128xf32, #tpu.memory_space<hbm>> -> memref<1x80x128xf32, #tpu.memory_space<hbm>>
        %dma_wait3A_82 = tpu.memref_squeeze %dma_wait3A_81 : memref<1x80x128xf32, #tpu.memory_space<hbm>> -> memref<80x128xf32, #tpu.memory_space<hbm>>
        %dma_wait3A_83 = arith.constant 0 : i32
        %dma_wait3A_84 = tpu.memref_slice %arg6[%arg0, %add3A_73, %dma_wait3A_83] : memref<2x10240x128xf32, #tpu.memory_space<hbm>> -> memref<1x80x128xf32, #tpu.memory_space<hbm>>
        %dma_wait3A_85 = tpu.memref_squeeze %dma_wait3A_84 : memref<1x80x128xf32, #tpu.memory_space<hbm>> -> memref<80x128xf32, #tpu.memory_space<hbm>>
        tpu.wait_dma2 semaphore(%run_scoped3A : memref<!tpu.dma_semaphore, #tpu.memory_space<semaphore_mem>>) src(%arg9 : memref<80x128xf32, #tpu.memory_space<vmem>>) dst(%dma_wait3A_85 : memref<80x128xf32, #tpu.memory_space<hbm>>)
        tpu.yield
      }) : () -> ()
    }
    %scan3A_67 = arith.constant 8 : i32
    return
  }
}

module attributes {stable_mosaic.version = 14 : i64} {
  func.func @_mlp_body(%arg0: i32, %arg1: memref<400x128xf32, #tpu.memory_space<vmem>>, %arg2: memref<2x400x128xf32, #tpu.memory_space<vmem>>, %arg3: memref<128x256xf32, #tpu.memory_space<vmem>>, %arg4: memref<1x256xf32, #tpu.memory_space<vmem>>, %arg5: memref<256x128xf32, #tpu.memory_space<vmem>>, %arg6: memref<1x128xf32, #tpu.memory_space<vmem>>, %arg7: memref<400x128xf32, #tpu.memory_space<vmem>>, %arg8: memref<8x128xf32, #tpu.memory_space<vmem>>) attributes {dimension_semantics = [#tpu.dimension_semantics<arbitrary>], iteration_bounds = array<i64: 25>, scalar_prefetch = 0 : i64, scratch_operands = 0 : i64, tpu.core_type = #tpu.core_type<tc>, window_params = [{transform_indices = @transform_0, window_bounds = array<i64: 400, 128>}, {transform_indices = @transform_1, window_bounds = array<i64: 2, 400, 128>}, {pipeline_mode = #tpu.pipeline_mode<synchronous>, transform_indices = @transform_2, window_bounds = array<i64: 128, 256>}, {pipeline_mode = #tpu.pipeline_mode<synchronous>, transform_indices = @transform_3, window_bounds = array<i64: 1, 256>}, {pipeline_mode = #tpu.pipeline_mode<synchronous>, transform_indices = @transform_4, window_bounds = array<i64: 256, 128>}, {pipeline_mode = #tpu.pipeline_mode<synchronous>, transform_indices = @transform_5, window_bounds = array<i64: 1, 128>}, {transform_indices = @transform_6, window_bounds = array<i64: 400, 128>}, {pipeline_mode = #tpu.pipeline_mode<synchronous>, transform_indices = @transform_7, window_bounds = array<i64: 8, 128>}]} {
    %get3A = arith.constant 0 : index
    %get3A_0 = arith.constant 0 : index
    %get3A_1 = vector.load %arg1[%get3A, %get3A_0] : memref<400x128xf32, #tpu.memory_space<vmem>>, vector<400x128xf32>
    %get3A_2 = arith.constant 0 : index
    %get3A_3 = arith.constant 0 : index
    %get3A_4 = arith.constant 0 : index
    %get3A_5 = vector.load %arg2[%get3A_2, %get3A_3, %get3A_4] : memref<2x400x128xf32, #tpu.memory_space<vmem>>, vector<1x400x128xf32>
    %get3A_6 = vector.shape_cast %get3A_5 : vector<1x400x128xf32> to vector<400x128xf32>
    %add3A = arith.addf %get3A_1, %get3A_6 : vector<400x128xf32>
    %get3A_7 = arith.constant 1 : index
    %get3A_8 = arith.constant 0 : index
    %get3A_9 = arith.constant 0 : index
    %get3A_10 = vector.load %arg2[%get3A_7, %get3A_8, %get3A_9] : memref<2x400x128xf32, #tpu.memory_space<vmem>>, vector<1x400x128xf32>
    %get3A_11 = vector.shape_cast %get3A_10 : vector<1x400x128xf32> to vector<400x128xf32>
    %add3A_12 = arith.addf %add3A, %get3A_11 : vector<400x128xf32>
    %get3A_13 = arith.constant 0 : index
    %get3A_14 = arith.constant 0 : index
    %get3A_15 = vector.load %arg3[%get3A_13, %get3A_14] : memref<128x256xf32, #tpu.memory_space<vmem>>, vector<128x256xf32>
    %dot_general3A = arith.constant dense<0.000000e+00> : vector<400x256xf32>
    %dot_general3A_16 = tpu.matmul %add3A_12, %get3A_15, %dot_general3A {dimension_numbers = #tpu.dot_dimension_numbers<[1], [0], [0], [1], [0, 0, 1, 1], [], []>, transpose_lhs_hint = false} : vector<400x128xf32>, vector<128x256xf32>, vector<400x256xf32> -> vector<400x256xf32>
    %get3A_17 = arith.constant 0 : index
    %get3A_18 = arith.constant 0 : index
    %get3A_19 = vector.load %arg4[%get3A_17, %get3A_18] : memref<1x256xf32, #tpu.memory_space<vmem>>, vector<1x256xf32>
    %add3A_20 = vector.broadcast %get3A_19 : vector<1x256xf32> to vector<400x256xf32>
    %add3A_21 = arith.addf %dot_general3A_16, %add3A_20 : vector<400x256xf32>
    %max3A = arith.constant 0.000000e+00 : f32
    %max3A_22 = vector.broadcast %max3A : f32 to vector<400x256xf32>
    %max3A_23 = arith.maximumf %add3A_21, %max3A_22 : vector<400x256xf32>
    %get3A_24 = arith.constant 0 : index
    %get3A_25 = arith.constant 0 : index
    %get3A_26 = vector.load %arg5[%get3A_24, %get3A_25] : memref<256x128xf32, #tpu.memory_space<vmem>>, vector<256x128xf32>
    %dot_general3A_27 = arith.constant dense<0.000000e+00> : vector<400x128xf32>
    %dot_general3A_28 = tpu.matmul %max3A_23, %get3A_26, %dot_general3A_27 {dimension_numbers = #tpu.dot_dimension_numbers<[1], [0], [0], [1], [0, 0, 1, 1], [], []>, transpose_lhs_hint = false} : vector<400x256xf32>, vector<256x128xf32>, vector<400x128xf32> -> vector<400x128xf32>
    %get3A_29 = arith.constant 0 : index
    %get3A_30 = arith.constant 0 : index
    %get3A_31 = vector.load %arg6[%get3A_29, %get3A_30] : memref<1x128xf32, #tpu.memory_space<vmem>>, vector<1x128xf32>
    %add3A_32 = vector.broadcast %get3A_31 : vector<1x128xf32> to vector<400x128xf32>
    %add3A_33 = arith.addf %dot_general3A_28, %add3A_32 : vector<400x128xf32>
    %swap3A = arith.constant 0 : index
    %swap3A_34 = arith.constant 0 : index
    %swap3A_35 = vector.load %arg7[%swap3A, %swap3A_34] : memref<400x128xf32, #tpu.memory_space<vmem>>, vector<400x128xf32>
    tpu.vector_store %arg7[%swap3A, %swap3A_34], %add3A_33 {strides = array<i32>} : memref<400x128xf32, #tpu.memory_space<vmem>>, vector<400x128xf32>,
    %reduce_sum3A = arith.constant dense<0.000000e+00> : vector<128xf32>
    %reduce_sum3A_36 = vector.multi_reduction <add>, %add3A_33, %reduce_sum3A [0] : vector<400x128xf32> to vector<128xf32>
    %broadcast_in_dim3A = vector.shape_cast %reduce_sum3A_36 : vector<128xf32> to vector<1x128xf32>
    %mul3A = arith.mulf %add3A_33, %add3A_33 : vector<400x128xf32>
    %reduce_sum3A_37 = arith.constant dense<0.000000e+00> : vector<128xf32>
    %reduce_sum3A_38 = vector.multi_reduction <add>, %mul3A, %reduce_sum3A_37 [0] : vector<400x128xf32> to vector<128xf32>
    %broadcast_in_dim3A_39 = vector.shape_cast %reduce_sum3A_38 : vector<128xf32> to vector<1x128xf32>
    %broadcast_in_dim3A_40 = arith.constant 0.000000e+00 : f32
    %broadcast_in_dim3A_41 = vector.broadcast %broadcast_in_dim3A_40 : f32 to vector<6x128xf32>
    %concatenate3A = tpu.concatenate %broadcast_in_dim3A, %broadcast_in_dim3A_39, %broadcast_in_dim3A_41 in 0 : vector<1x128xf32>, vector<1x128xf32>, vector<6x128xf32> -> vector<8x128xf32>
    %eq3A = arith.constant 0 : i32
    %eq3A_42 = arith.cmpi eq, %arg0, %eq3A : i32
    %convert_element_type3A = arith.extui %eq3A_42 : i1 to i32
    %cond3A = arith.constant 0 : i32
    %cond3A_43 = arith.cmpi ne, %convert_element_type3A, %cond3A : i32
    scf.if %cond3A_43 {
      %swap3A_48 = arith.constant 0 : index
      %swap3A_49 = arith.constant 0 : index
      %swap3A_50 = vector.load %arg8[%swap3A_48, %swap3A_49] : memref<8x128xf32, #tpu.memory_space<vmem>>, vector<8x128xf32>
      tpu.vector_store %arg8[%swap3A_48, %swap3A_49], %concatenate3A {strides = array<i32>} : memref<8x128xf32, #tpu.memory_space<vmem>>, vector<8x128xf32>,
    } else {
    }
    %gt3A = arith.constant 0 : i32
    %gt3A_44 = arith.cmpi sgt, %arg0, %gt3A : i32
    %convert_element_type3A_45 = arith.extui %gt3A_44 : i1 to i32
    %cond3A_46 = arith.constant 0 : i32
    %cond3A_47 = arith.cmpi ne, %convert_element_type3A_45, %cond3A_46 : i32
    scf.if %cond3A_47 {
      %get3A_48 = arith.constant 0 : index
      %get3A_49 = arith.constant 0 : index
      %get3A_50 = vector.load %arg8[%get3A_48, %get3A_49] : memref<8x128xf32, #tpu.memory_space<vmem>>, vector<8x128xf32>
      %add3A_51 = arith.addf %get3A_50, %concatenate3A : vector<8x128xf32>
      %swap3A_52 = arith.constant 0 : index
      %swap3A_53 = arith.constant 0 : index
      %swap3A_54 = vector.load %arg8[%swap3A_52, %swap3A_53] : memref<8x128xf32, #tpu.memory_space<vmem>>, vector<8x128xf32>
      tpu.vector_store %arg8[%swap3A_52, %swap3A_53], %add3A_51 {strides = array<i32>} : memref<8x128xf32, #tpu.memory_space<vmem>>, vector<8x128xf32>,
    } else {
    }
    return
  }
  func.func @transform_0(%arg0: i32) -> (i32, i32) {
    %c0_i32 = arith.constant 0 : i32
    %c0_i32_0 = arith.constant 0 : i32
    return %arg0, %c0_i32 : i32, i32
  }
  func.func @transform_1(%arg0: i32) -> (i32, i32, i32) {
    %c0_i32 = arith.constant 0 : i32
    %c0_i32_0 = arith.constant 0 : i32
    %c0_i32_1 = arith.constant 0 : i32
    return %c0_i32, %arg0, %c0_i32_0 : i32, i32, i32
  }
  func.func @transform_2(%arg0: i32) -> (i32, i32) {
    %c0_i32 = arith.constant 0 : i32
    %c0_i32_0 = arith.constant 0 : i32
    %c0_i32_1 = arith.constant 0 : i32
    return %c0_i32, %c0_i32_0 : i32, i32
  }
  func.func @transform_3(%arg0: i32) -> (i32, i32) {
    %c0_i32 = arith.constant 0 : i32
    %c0_i32_0 = arith.constant 0 : i32
    %c0_i32_1 = arith.constant 0 : i32
    return %c0_i32, %c0_i32_0 : i32, i32
  }
  func.func @transform_4(%arg0: i32) -> (i32, i32) {
    %c0_i32 = arith.constant 0 : i32
    %c0_i32_0 = arith.constant 0 : i32
    %c0_i32_1 = arith.constant 0 : i32
    return %c0_i32, %c0_i32_0 : i32, i32
  }
  func.func @transform_5(%arg0: i32) -> (i32, i32) {
    %c0_i32 = arith.constant 0 : i32
    %c0_i32_0 = arith.constant 0 : i32
    %c0_i32_1 = arith.constant 0 : i32
    return %c0_i32, %c0_i32_0 : i32, i32
  }
  func.func @transform_6(%arg0: i32) -> (i32, i32) {
    %c0_i32 = arith.constant 0 : i32
    %c0_i32_0 = arith.constant 0 : i32
    return %arg0, %c0_i32 : i32, i32
  }
  func.func @transform_7(%arg0: i32) -> (i32, i32) {
    %c0_i32 = arith.constant 0 : i32
    %c0_i32_0 = arith.constant 0 : i32
    %c0_i32_1 = arith.constant 0 : i32
    return %c0_i32, %c0_i32_0 : i32, i32
  }
}

module attributes {stable_mosaic.version = 14 : i64} {
  func.func @_bnrelu_body(%arg0: i32, %arg1: memref<400x128xf32, #tpu.memory_space<vmem>>, %arg2: memref<1x128xf32, #tpu.memory_space<vmem>>, %arg3: memref<1x128xf32, #tpu.memory_space<vmem>>, %arg4: memref<400x128xf32, #tpu.memory_space<vmem>>) attributes {dimension_semantics = [#tpu.dimension_semantics<arbitrary>], iteration_bounds = array<i64: 25>, scalar_prefetch = 0 : i64, scratch_operands = 0 : i64, tpu.core_type = #tpu.core_type<tc>, window_params = [{transform_indices = @transform_0, window_bounds = array<i64: 400, 128>}, {pipeline_mode = #tpu.pipeline_mode<synchronous>, transform_indices = @transform_1, window_bounds = array<i64: 1, 128>}, {pipeline_mode = #tpu.pipeline_mode<synchronous>, transform_indices = @transform_2, window_bounds = array<i64: 1, 128>}, {transform_indices = @transform_3, window_bounds = array<i64: 400, 128>}]} {
    %get3A = arith.constant 0 : index
    %get3A_0 = arith.constant 0 : index
    %get3A_1 = vector.load %arg1[%get3A, %get3A_0] : memref<400x128xf32, #tpu.memory_space<vmem>>, vector<400x128xf32>
    %get3A_2 = arith.constant 0 : index
    %get3A_3 = arith.constant 0 : index
    %get3A_4 = vector.load %arg2[%get3A_2, %get3A_3] : memref<1x128xf32, #tpu.memory_space<vmem>>, vector<1x128xf32>
    %mul3A = vector.broadcast %get3A_4 : vector<1x128xf32> to vector<400x128xf32>
    %mul3A_5 = arith.mulf %get3A_1, %mul3A : vector<400x128xf32>
    %get3A_6 = arith.constant 0 : index
    %get3A_7 = arith.constant 0 : index
    %get3A_8 = vector.load %arg3[%get3A_6, %get3A_7] : memref<1x128xf32, #tpu.memory_space<vmem>>, vector<1x128xf32>
    %add3A = vector.broadcast %get3A_8 : vector<1x128xf32> to vector<400x128xf32>
    %add3A_9 = arith.addf %mul3A_5, %add3A : vector<400x128xf32>
    %max3A = arith.constant 0.000000e+00 : f32
    %max3A_10 = vector.broadcast %max3A : f32 to vector<400x128xf32>
    %max3A_11 = arith.maximumf %add3A_9, %max3A_10 : vector<400x128xf32>
    %swap3A = arith.constant 0 : index
    %swap3A_12 = arith.constant 0 : index
    %swap3A_13 = vector.load %arg4[%swap3A, %swap3A_12] : memref<400x128xf32, #tpu.memory_space<vmem>>, vector<400x128xf32>
    tpu.vector_store %arg4[%swap3A, %swap3A_12], %max3A_11 {strides = array<i32>} : memref<400x128xf32, #tpu.memory_space<vmem>>, vector<400x128xf32>,
    return
  }
  func.func @transform_0(%arg0: i32) -> (i32, i32) {
    %c0_i32 = arith.constant 0 : i32
    %c0_i32_0 = arith.constant 0 : i32
    return %arg0, %c0_i32 : i32, i32
  }
  func.func @transform_1(%arg0: i32) -> (i32, i32) {
    %c0_i32 = arith.constant 0 : i32
    %c0_i32_0 = arith.constant 0 : i32
    %c0_i32_1 = arith.constant 0 : i32
    return %c0_i32, %c0_i32_0 : i32, i32
  }
  func.func @transform_2(%arg0: i32) -> (i32, i32) {
    %c0_i32 = arith.constant 0 : i32
    %c0_i32_0 = arith.constant 0 : i32
    %c0_i32_1 = arith.constant 0 : i32
    return %c0_i32, %c0_i32_0 : i32, i32
  }
  func.func @transform_3(%arg0: i32) -> (i32, i32) {
    %c0_i32 = arith.constant 0 : i32
    %c0_i32_0 = arith.constant 0 : i32
    return %arg0, %c0_i32 : i32, i32
  }
}

module attributes {stable_mosaic.version = 14 : i64} {
  func.func @_segmax_body(%arg0: i32, %arg1: memref<65xi32, #tpu.memory_space<smem>>, %arg2: memref<25xi32, #tpu.memory_space<smem>>, %arg3: memref<25xi32, #tpu.memory_space<smem>>, %arg4: memref<400x128xf32, #tpu.memory_space<vmem>>, %arg5: memref<1x128xf32, #tpu.memory_space<vmem>>, %arg6: memref<1x128xf32, #tpu.memory_space<vmem>>, %arg7: memref<64x128xf32, #tpu.memory_space<vmem>>) attributes {dimension_semantics = [#tpu.dimension_semantics<arbitrary>], iteration_bounds = array<i64: 25>, scalar_prefetch = 0 : i64, scratch_operands = 0 : i64, tpu.core_type = #tpu.core_type<tc>, window_params = [{transform_indices = @transform_0, window_bounds = array<i64: 65>}, {transform_indices = @transform_1, window_bounds = array<i64: 25>}, {transform_indices = @transform_2, window_bounds = array<i64: 25>}, {transform_indices = @transform_3, window_bounds = array<i64: 400, 128>}, {pipeline_mode = #tpu.pipeline_mode<synchronous>, transform_indices = @transform_4, window_bounds = array<i64: 1, 128>}, {pipeline_mode = #tpu.pipeline_mode<synchronous>, transform_indices = @transform_5, window_bounds = array<i64: 1, 128>}, {pipeline_mode = #tpu.pipeline_mode<synchronous>, transform_indices = @transform_6, window_bounds = array<i64: 64, 128>}]} {
    %eq3A = arith.constant 0 : i32
    %eq3A_0 = arith.cmpi eq, %arg0, %eq3A : i32
    %convert_element_type3A = arith.extui %eq3A_0 : i1 to i32
    %cond3A = arith.constant 0 : i32
    %cond3A_1 = arith.cmpi ne, %convert_element_type3A, %cond3A : i32
    scf.if %cond3A_1 {
      %broadcast_in_dim3A = arith.constant 0xFF800000 : f32
      %broadcast_in_dim3A_31 = vector.broadcast %broadcast_in_dim3A : f32 to vector<64x128xf32>
      %swap3A = arith.constant 0 : index
      %swap3A_32 = arith.constant 0 : index
      %swap3A_33 = vector.load %arg7[%swap3A, %swap3A_32] : memref<64x128xf32, #tpu.memory_space<vmem>>, vector<64x128xf32>
      tpu.vector_store %arg7[%swap3A, %swap3A_32], %broadcast_in_dim3A_31 {strides = array<i32>} : memref<64x128xf32, #tpu.memory_space<vmem>>, vector<64x128xf32>,
    } else {
    }
    %get3A = arith.constant 0 : index
    %get3A_2 = arith.constant 0 : index
    %get3A_3 = vector.load %arg4[%get3A, %get3A_2] : memref<400x128xf32, #tpu.memory_space<vmem>>, vector<400x128xf32>
    %get3A_4 = arith.constant 0 : index
    %get3A_5 = arith.constant 0 : index
    %get3A_6 = vector.load %arg5[%get3A_4, %get3A_5] : memref<1x128xf32, #tpu.memory_space<vmem>>, vector<1x128xf32>
    %mul3A = vector.broadcast %get3A_6 : vector<1x128xf32> to vector<400x128xf32>
    %mul3A_7 = arith.mulf %get3A_3, %mul3A : vector<400x128xf32>
    %get3A_8 = arith.constant 0 : index
    %get3A_9 = arith.constant 0 : index
    %get3A_10 = vector.load %arg6[%get3A_8, %get3A_9] : memref<1x128xf32, #tpu.memory_space<vmem>>, vector<1x128xf32>
    %add3A = vector.broadcast %get3A_10 : vector<1x128xf32> to vector<400x128xf32>
    %add3A_11 = arith.addf %mul3A_7, %add3A : vector<400x128xf32>
    %mul3A_12 = arith.constant 400 : i32
    %mul3A_13 = arith.muli %arg0, %mul3A_12 : i32
    %iota3A = tpu.iota {dimensions = array<i32: 0>} : vector<400x128xi32>
    %add3A_14 = vector.broadcast %mul3A_13 : i32 to vector<400x128xi32>
    %add3A_15 = arith.addi %add3A_14, %iota3A : vector<400x128xi32>
    %iota3A_16 = tpu.iota {dimensions = array<i32: 0>} : vector<64x128xi32>
    %get3A_17 = arith.index_cast %arg0 : i32 to index
    %get3A_18 = memref.load %arg2[%get3A_17] : memref<25xi32, #tpu.memory_space<smem>>
    %get3A_19 = arith.index_cast %arg0 : i32 to index
    %get3A_20 = memref.load %arg3[%get3A_19] : memref<25xi32, #tpu.memory_space<smem>>
    %add3A_21 = arith.constant 1 : i32
    %add3A_22 = arith.addi %get3A_20, %add3A_21 : i32
    %while3A = arith.constant 0 : i32
    %while3A_23 = arith.subi %add3A_22, %get3A_18 : i32
    %while3A_24 = arith.addi %get3A_18, %while3A_23 : i32
    %while3A_25 = arith.constant 1 : i32
    %while3A_26 = arith.divsi %while3A_23, %while3A_25 : i32
    %while3A_27 = arith.muli %while3A_26, %while3A_25 : i32
    %while3A_28 = arith.addi %get3A_18, %while3A_27 : i32
    %while3A_29 = arith.constant 1 : i32
    scf.for %while3A_31 = %get3A_18 to %while3A_28 step %while3A_29  : i32 {
      %get3A_32 = arith.index_cast %while3A_31 : i32 to index
      %get3A_33 = memref.load %arg1[%get3A_32] : memref<65xi32, #tpu.memory_space<smem>>
      %add3A_34 = arith.constant 1 : i32
      %add3A_35 = arith.addi %while3A_31, %add3A_34 : i32
      %get3A_36 = arith.index_cast %add3A_35 : i32 to index
      %get3A_37 = memref.load %arg1[%get3A_36] : memref<65xi32, #tpu.memory_space<smem>>
      %ge3A = vector.broadcast %get3A_33 : i32 to vector<400x128xi32>
      %ge3A_38 = arith.cmpi sge, %add3A_15, %ge3A : vector<400x128xi32>
      %lt3A = vector.broadcast %get3A_37 : i32 to vector<400x128xi32>
      %lt3A_39 = arith.cmpi slt, %add3A_15, %lt3A : vector<400x128xi32>
      %and3A = arith.andi %ge3A_38, %lt3A_39 : vector<400x128xi1>
      %jit3A = arith.constant 0xFF800000 : f32
      %broadcast_in_dim3A = vector.broadcast %jit3A : f32 to vector<400x128xf32>
      %select_n3A = arith.select %and3A, %add3A_11, %broadcast_in_dim3A : vector<400x128xi1>, vector<400x128xf32>
      %reduce_max3A = arith.constant dense<0xFF800000> : vector<128xf32>
      %reduce_max3A_40 = vector.multi_reduction <maximumf>, %select_n3A, %reduce_max3A [0] : vector<400x128xf32> to vector<128xf32>
      %broadcast_in_dim3A_41 = vector.shape_cast %reduce_max3A_40 : vector<128xf32> to vector<1x128xf32>
      %eq3A_42 = vector.broadcast %while3A_31 : i32 to vector<64x128xi32>
      %eq3A_43 = arith.cmpi eq, %iota3A_16, %eq3A_42 : vector<64x128xi32>
      %jit3A_44 = arith.constant 0xFF800000 : f32
      %broadcast_in_dim3A_45 = vector.shape_cast %broadcast_in_dim3A_41 : vector<1x128xf32> to vector<1x128xf32>
      %broadcast_in_dim3A_46 = vector.broadcast %broadcast_in_dim3A_45 : vector<1x128xf32> to vector<64x128xf32>
      %broadcast_in_dim3A_47 = vector.broadcast %jit3A_44 : f32 to vector<64x128xf32>
      %select_n3A_48 = arith.select %eq3A_43, %broadcast_in_dim3A_46, %broadcast_in_dim3A_47 : vector<64x128xi1>, vector<64x128xf32>
      %get3A_49 = arith.constant 0 : index
      %get3A_50 = arith.constant 0 : index
      %get3A_51 = vector.load %arg7[%get3A_49, %get3A_50] : memref<64x128xf32, #tpu.memory_space<vmem>>, vector<64x128xf32>
      %max3A = arith.maximumf %get3A_51, %select_n3A_48 : vector<64x128xf32>
      %swap3A = arith.constant 0 : index
      %swap3A_52 = arith.constant 0 : index
      %swap3A_53 = vector.load %arg7[%swap3A, %swap3A_52] : memref<64x128xf32, #tpu.memory_space<vmem>>, vector<64x128xf32>
      tpu.vector_store %arg7[%swap3A, %swap3A_52], %max3A {strides = array<i32>} : memref<64x128xf32, #tpu.memory_space<vmem>>, vector<64x128xf32>,
    }
    %while3A_30 = arith.constant 1 : i32
    scf.for %while3A_31 = %while3A_28 to %while3A_24 step %while3A_30  : i32 {
      %get3A_32 = arith.index_cast %while3A_31 : i32 to index
      %get3A_33 = memref.load %arg1[%get3A_32] : memref<65xi32, #tpu.memory_space<smem>>
      %add3A_34 = arith.constant 1 : i32
      %add3A_35 = arith.addi %while3A_31, %add3A_34 : i32
      %get3A_36 = arith.index_cast %add3A_35 : i32 to index
      %get3A_37 = memref.load %arg1[%get3A_36] : memref<65xi32, #tpu.memory_space<smem>>
      %ge3A = vector.broadcast %get3A_33 : i32 to vector<400x128xi32>
      %ge3A_38 = arith.cmpi sge, %add3A_15, %ge3A : vector<400x128xi32>
      %lt3A = vector.broadcast %get3A_37 : i32 to vector<400x128xi32>
      %lt3A_39 = arith.cmpi slt, %add3A_15, %lt3A : vector<400x128xi32>
      %and3A = arith.andi %ge3A_38, %lt3A_39 : vector<400x128xi1>
      %jit3A = arith.constant 0xFF800000 : f32
      %broadcast_in_dim3A = vector.broadcast %jit3A : f32 to vector<400x128xf32>
      %select_n3A = arith.select %and3A, %add3A_11, %broadcast_in_dim3A : vector<400x128xi1>, vector<400x128xf32>
      %reduce_max3A = arith.constant dense<0xFF800000> : vector<128xf32>
      %reduce_max3A_40 = vector.multi_reduction <maximumf>, %select_n3A, %reduce_max3A [0] : vector<400x128xf32> to vector<128xf32>
      %broadcast_in_dim3A_41 = vector.shape_cast %reduce_max3A_40 : vector<128xf32> to vector<1x128xf32>
      %eq3A_42 = vector.broadcast %while3A_31 : i32 to vector<64x128xi32>
      %eq3A_43 = arith.cmpi eq, %iota3A_16, %eq3A_42 : vector<64x128xi32>
      %jit3A_44 = arith.constant 0xFF800000 : f32
      %broadcast_in_dim3A_45 = vector.shape_cast %broadcast_in_dim3A_41 : vector<1x128xf32> to vector<1x128xf32>
      %broadcast_in_dim3A_46 = vector.broadcast %broadcast_in_dim3A_45 : vector<1x128xf32> to vector<64x128xf32>
      %broadcast_in_dim3A_47 = vector.broadcast %jit3A_44 : f32 to vector<64x128xf32>
      %select_n3A_48 = arith.select %eq3A_43, %broadcast_in_dim3A_46, %broadcast_in_dim3A_47 : vector<64x128xi1>, vector<64x128xf32>
      %get3A_49 = arith.constant 0 : index
      %get3A_50 = arith.constant 0 : index
      %get3A_51 = vector.load %arg7[%get3A_49, %get3A_50] : memref<64x128xf32, #tpu.memory_space<vmem>>, vector<64x128xf32>
      %max3A = arith.maximumf %get3A_51, %select_n3A_48 : vector<64x128xf32>
      %swap3A = arith.constant 0 : index
      %swap3A_52 = arith.constant 0 : index
      %swap3A_53 = vector.load %arg7[%swap3A, %swap3A_52] : memref<64x128xf32, #tpu.memory_space<vmem>>, vector<64x128xf32>
      tpu.vector_store %arg7[%swap3A, %swap3A_52], %max3A {strides = array<i32>} : memref<64x128xf32, #tpu.memory_space<vmem>>, vector<64x128xf32>,
    }
    return
  }
  func.func @transform_0(%arg0: i32) -> i32 {
    %c0_i32 = arith.constant 0 : i32
    %c0_i32_0 = arith.constant 0 : i32
    return %c0_i32 : i32
  }
  func.func @transform_1(%arg0: i32) -> i32 {
    %c0_i32 = arith.constant 0 : i32
    %c0_i32_0 = arith.constant 0 : i32
    return %c0_i32 : i32
  }
  func.func @transform_2(%arg0: i32) -> i32 {
    %c0_i32 = arith.constant 0 : i32
    %c0_i32_0 = arith.constant 0 : i32
    return %c0_i32 : i32
  }
  func.func @transform_3(%arg0: i32) -> (i32, i32) {
    %c0_i32 = arith.constant 0 : i32
    %c0_i32_0 = arith.constant 0 : i32
    return %arg0, %c0_i32 : i32, i32
  }
  func.func @transform_4(%arg0: i32) -> (i32, i32) {
    %c0_i32 = arith.constant 0 : i32
    %c0_i32_0 = arith.constant 0 : i32
    %c0_i32_1 = arith.constant 0 : i32
    return %c0_i32, %c0_i32_0 : i32, i32
  }
  func.func @transform_5(%arg0: i32) -> (i32, i32) {
    %c0_i32 = arith.constant 0 : i32
    %c0_i32_0 = arith.constant 0 : i32
    %c0_i32_1 = arith.constant 0 : i32
    return %c0_i32, %c0_i32_0 : i32, i32
  }
  func.func @transform_6(%arg0: i32) -> (i32, i32) {
    %c0_i32 = arith.constant 0 : i32
    %c0_i32_0 = arith.constant 0 : i32
    %c0_i32_1 = arith.constant 0 : i32
    return %c0_i32, %c0_i32_0 : i32, i32
  }
}

</mosaic_0001>

<sc_bundles>
// kernel: kernel.11.cloned.1.call-start
scs
__scs_entry_jumppad:
0x0: {  	(pc) =	sbr.rel $0x88, $3  }
0x1: {  	(tag) =	ssettag $0x0;
	lr =	simm.s32 $0x1  }
0x2: {  	[smem:$0x3F92] =	sst lr;
	_ =	strace $0xD0000000  }
0x3: {  	_ = 	snop  }
0x4: {  	_ = 	snop  }
0x5: {  	_ = 	snop  }
0x6: {  	_ = 	snop  }
0x7: {  	_ = 	snop  }
__scs_overlays_trampoline_lowered:
0x8: {  	[smem:$0x3FA1] =	sst s0  }
0x9: {  	[smem:$0x3FA2] =	sst s1  }
0xa: {  	[smem:$0x3FA3] =	sst s2  }
0xb: {  	[smem:$0x3FA4] =	sst s3  }
0xc: {  	[smem:$0x3FA5] =	sst s4  }
0xd: {  	[smem:$0x3FA6] =	sst s5  }
0xe: {  	[smem:$0x3FA7] =	sst s6  }
0xf: {  	[smem:$0x3FA8] =	sst s7  }
0x10: {  	[smem:$0x3FA9] =	sst s8  }
0x11: {  	[smem:$0x3FAA] =	sst s9;
	s0 =	simm.s32 @!p0 $0x0  }
0x12: {  	s1 =	sld [smem:$0x3F90];
	s0 =	simm.s32 @p0 $0x1  }
0x13: {  	[smem:$0x3FAB] =	sst s0;
	s0 =	simm.s32 @!p1 $0x0  }
0x14: {  	s2 =	sld [smem:$0x3F8F];
	s0 =	simm.s32 @p1 $0x1  }
0x15: {  	[smem:$0x3FAC] =	sst s0;
	s0 =	simm.s32 @!p2 $0x0  }
0x16: {  	s3 =	sld [smem:$0x3FDB];
	s0 =	simm.s32 @p2 $0x1  }
0x17: {  	s4 =	simm.s32 $0x1BF5;
	[smem:$0x3FAE] =	sst s0  }
0x18: {  	s0 =	sld [smem:$0x3F91];
	_ =	swait.ge [sflag:s4], $0x0  }
0x19: {  	s7 =	sld [smem:$0x3F92]  }
0x1a: {  	s8 =	sadd.s32 $0xFFFFE003, lr  }
0x1b: {  	s9 =	sadd.s32 $0xFFFFFEF7, lr;
	s5 =	simm.s32 $0xFFFFFFFF;
	p2 =	slt.u32 s8, $0xFFFFF086  }
0x1c: {  	p1 =	slt.u32 s9, $0xF7A;
	s5 =	simm.s32 @!p2 $0x0  }
0x1d: {  	s5 =	simm.s32 @p1 $0x1;
	p0 =	seq.s32 s7, s2  }
0x1e: {  	s7 =	smul.u32 @!p0 $0xF7A, s2;
	p2 =	seq.s32 @!p0 s5, $0x0  }
0x1f: {  	s9 =	smul.u32 $0xF7A, s1;
	s8 =	simm.s32 @!p0 $0x1BF5;
	p2 =	por !p2, p0  }
0x20: {  	[sflag:s8] =	ssyncset.s32 @!p0 $0xFFFFF086;
	s6 =	sadd.s32 @!p0 s3, s7;
	s7 =	simm.s32 @!p0 $0x108  }
0x21: {  	s3 =	sadd.s32 s3, s9;
	s6 =	sadd.s32 @!p0 $0x88, s6;
	s7 =	simm.s32 @p2 $0x1082  }
0x22: {  	[simem:s7], [sflag:s8] =	dma.local @!p0 [hbm:s6], $0xF7A  }
0x23: {  	s9 =	sor.u32 $0xD0000000, s2;
	s6 =	simm.s32 $0x108;
	_ =	swait.ge @!p0 [sflag:s8], $0x0  }
0x24: {  	s3 =	sadd.s32 $0x88, s3;
	s6 =	simm.s32 @!p1 $0x1082;
	[sflag:s4] =	ssyncset.s32 $0xFFFFF086  }
0x25: {  	[simem:s6], [sflag:s4] =	dma.local [hbm:s3], $0xF7A  }
0x26: {  	[smem:$0x3F92] =	sst s1;
	(tag) =	ssettag s2;
	_ =	strace s9  }
0x27: {  	s1 =	sld [smem:$0x3FA2]  }
0x28: {  	s2 =	sld [smem:$0x3FA3]  }
0x29: {  	s4 =	sld [smem:$0x3FA5]  }
0x2a: {  	p0 =	seq.s32 s5, $0x0;
	s5 =	sld [smem:$0x3FA6]  }
0x2b: {  	s6 =	sld [smem:$0x3FA7]  }
0x2c: {  	s7 =	sld [smem:$0x3FA8]  }
0x2d: {  	s3 =	simm.s32 $0x108;
	s8 =	sld [smem:$0x3FA9]  }
0x2e: {  	s3 =	simm.s32 @!p0 $0x1082;
	s9 =	sld [smem:$0x3FAA]  }
0x2f: {  	lr =	sadd.s32 s0, s3;
	s0 =	sld [smem:$0x3FA1]  }
0x30: {  	s3 =	sld [smem:$0x3FA4]  }
0x31: {  	[smem:$0x3FAD] =	sst s10  }
0x32: {  	s10 =	sld [smem:$0x3FAB];
	_ =	sdelay $0x3  }
0x33: {  	p0 =	seq.s32 s10, $0x1;
	s10 =	sld [smem:$0x3FAD];
	_ =	sdelay $0x3  }
0x34: {  	[smem:$0x3FAD] =	sst s10  }
0x35: {  	s10 =	sld [smem:$0x3FAC];
	_ =	sdelay $0x3  }
0x36: {  	p1 =	seq.s32 s10, $0x1;
	s10 =	sld [smem:$0x3FAD];
	_ =	sdelay $0x3  }
0x37: {  	[smem:$0x3FAD] =	sst s10  }
0x38: {  	s10 =	sld [smem:$0x3FAE]  }
0x39: {  	_ = 	snop;
	(pc) =	sbr.ind lr, $3  }
0x3a: {  	_ = 	snop  }
0x3b: {  	_ = 	snop  }
0x3c: {  	p2 =	seq.s32 s10, $0x1;
	s10 =	sld [smem:$0x3FAD]  }
0x3d: {  	_ =	shalt  }
0x3e: {  	_ =	shalt  }
0x3f: {  	_ =	shalt  }
0x40: {  	_ =	shalt  }
0x41: {  	_ =	shalt  }
0x42: {  	_ =	shalt  }
0x43: {  	_ =	shalt  }
0x44: {  	_ =	shalt  }
0x45: {  	_ =	shalt  }
0x46: {  	_ =	shalt  }
0x47: {  	_ =	shalt  }
0x48: {  	_ =	shalt  }
0x49: {  	_ =	shalt  }
0x4a: {  	_ =	shalt  }
0x4b: {  	_ =	shalt  }
0x4c: {  	_ =	shalt  }
0x4d: {  	_ =	shalt  }
0x4e: {  	_ =	shalt  }
0x4f: {  	_ =	shalt  }
0x50: {  	_ =	shalt  }
0x51: {  	_ =	shalt  }
0x52: {  	_ =	shalt  }
0x53: {  	_ =	shalt  }
0x54: {  	_ =	shalt  }
0x55: {  	_ =	shalt  }
0x56: {  	_ =	shalt  }
0x57: {  	_ =	shalt  }
0x58: {  	_ =	shalt  }
0x59: {  	_ =	shalt  }
0x5a: {  	_ =	shalt  }
0x5b: {  	_ =	shalt  }
0x5c: {  	_ =	shalt  }
0x5d: {  	_ =	shalt  }
0x5e: {  	_ =	shalt  }
0x5f: {  	_ =	shalt  }
0x60: {  	_ =	shalt  }
0x61: {  	_ =	shalt  }
0x62: {  	_ =	shalt  }
0x63: {  	_ =	shalt  }
0x64: {  	_ =	shalt  }
0x65: {  	_ =	shalt  }
0x66: {  	_ =	shalt  }
0x67: {  	_ =	shalt  }
0x68: {  	_ =	shalt  }
0x69: {  	_ =	shalt  }
0x6a: {  	_ =	shalt  }
0x6b: {  	_ =	shalt  }
0x6c: {  	_ =	shalt  }
0x6d: {  	_ =	shalt  }
0x6e: {  	_ =	shalt  }
0x6f: {  	_ =	shalt  }
0x70: {  	_ =	shalt  }
0x71: {  	_ =	shalt  }
0x72: {  	_ =	shalt  }
0x73: {  	_ =	shalt  }
0x74: {  	_ =	shalt  }
0x75: {  	_ =	shalt  }
0x76: {  	_ =	shalt  }
0x77: {  	_ =	shalt  }
0x78: {  	_ =	shalt  }
0x79: {  	_ =	shalt  }
0x7a: {  	_ =	shalt  }
0x7b: {  	_ =	shalt  }
0x7c: {  	_ =	shalt  }
0x7d: {  	_ =	shalt  }
0x7e: {  	_ =	shalt  }
0x7f: {  	_ =	shalt  }
0x80: {  	_ =	shalt  }
0x81: {  	_ =	shalt  }
0x82: {  	_ =	shalt  }
0x83: {  	_ =	shalt  }
0x84: {  	_ =	shalt  }
0x85: {  	_ =	shalt  }
0x86: {  	_ =	shalt  }
0x87: {  	_ =	shalt  }
.Lfunc_end0:
.L_simem_size_0:
called_computation.1_lowered:
.L_overlay_start_0:
0x88: {  	s2 =	sld [smem:$0x3FD9]  }
0x89: {  	s3 =	sld [smem:$0x3FFE];
	_ =	sdelay $0x1  }
0x8a: {  	s1 =	srdreg.scid  }
0x8b: {  	s0 =	sand.u32 $0x1, s1  }
0x8c: {  	s16 =	sshll.u32 s0, $0xA;
	s2 =	sadd.s32 s3, s2  }
0x8d: {  	s2 =	sadd.s32 s2, s16  }
0x8e: {  	[smem:$0x3FB9] =	sst s2  }
0x8f: {  	_ = 	snop  }
0x90: {  	(tm) =	ssettm $0x1  }
0x91: {  	s17 =	sld [smem:$0x3FFB];
	_ =	sdelay $0x3  }
0x92: {  	_ =	strace s17  }
0x93: {  	s2 =	sld [smem:$0x3FFC];
	_ =	sdelay $0x3  }
0x94: {  	_ =	strace s2  }
0x95: {  	s2 =	sld [smem:$0x3FFD];
	_ =	sdelay $0x3  }
0x96: {  	_ =	strace s2  }
0x97: {  	_ =	strace $0x8FFFFFFF  }
0x98: {  	s18 =	sld [smem:$0x3FDB];
	_ =	sdelay $0x1  }
0x99: {  	s19 =	simm.s32 $_scs_section_size  }
0x9a: {  	s4 =	simm.s32 $_size__tile_overlayer_lowered;
	s5 =	simm.s32 $_tile_overlayer_lowered  }
0x9b: {  	s22 =	simm.s32 $0x1BFF;
	s21 =	sshll.u32 s5, $0x1;
	s2 =	sadd.s32 s19, s18  }
0x9c: {  	s6 =	simm.s32 $0x0;
	s20 =	sshll.u32 s4, $0x1;
	s4 =	sadd.s32 s21, s2  }
0x9d: {  	[timem:s6], [sflag:s22] =	dma.local [hbm:s4], s20  }
0x9e: {  	_ =	swait.ge [sflag:s22], s20  }
0x9f: {  	s3 =	ssub.s32 $0x0, s20;
	[sflag:s22] =	ssyncset.done $0x0  }
0xa0: {  	[sflag:s22] =	ssyncadd.s32 s3;
	_ =	sdelay $0x1  }
0xa1: {  	s23 =	simm.s32 $0x1B8B  }
0xa2: {  	_ =	swait.ge [sflag:s23], $0x1  }
0xa3: {  	[sflag:s23] =	ssyncset.done $0x0  }
0xa4: {  	s25 =	simm.s32 $0x1B8E;
	s24 =	sld [smem:$0x3FFE];
	[sflag:s23] =	ssyncadd.s32 $0xFFFFFFFF  }
0xa5: {  	s26 =	simm.s32 $execute0_lowered;
	[smem:$0x3FD2] =	sst s25  }
0xa6: {  	s4 =	sshll.u32 s26, $0x1;
	_ =	strace $0x80000049;
	[dreg:$0x1] =	wrdreg $0xFFFFFFFF  }
0xa7: {  	s28 =	simm.s32 $_size_execute0_lowered;
	s2 =	sadd.s32 s2, s4;
	[dreg:$0x0] =	wrdreg $0x0  }
0xa8: {  	s4 =	sshll.u32 s28, $0x1;
	[dreg:$0x2] =	wrdreg s2  }
0xa9: {  	[dreg:$0x3] =	wrdreg s4  }
0xaa: {  	[dreg:$0x4] =	wrdreg $0xC0  }
0xab: {  	_ =	task [dreg:s6], $0x5FFFF  }
0xac: {  	[dreg:$0x1] =	wrdreg $0xFFFFFFFF  }
0xad: {  	[dreg:$0x0] =	wrdreg $0x60  }
0xae: {  	[dreg:$0x2] =	wrdreg s24  }
0xaf: {  	[dreg:$0x3] =	wrdreg $0xB7800  }
0xb0: {  	[dreg:$0x4] =	wrdreg $0x9  }
0xb1: {  	_ =	task.clear_ibuf [dreg:s6], $0x5FFFF;
	_ =	strace $0x90000049  }
0xb2: {  	s29 =	simm.s32 $0x9;
	_ =	strace $0x8000004B  }
0xb3: {  	_ =	swait.ge [sflag:s29], $0x1  }
0xb4: {  	[sflag:s29] =	ssyncadd.s32 $0xFFFFFFFF  }
0xb5: {  	_ =	strace $0x9000004B  }
0xb6: {  	_ =	sfence  }
0xb7: {  	s30 =	sld [smem:$0x0];
	_ =	sdelay $0x2  }
0xb8: {  	s31 =	sshll.u32 s1, $0xD;
	s1 =	sshrl.u32 s1, $0x2  }
0xb9: {  	s3 =	sand.u32 $0x4000, s31;
	s1 =	sadd.s32 s1, s30  }
0xba: {  	s0 =	sor.u32 s3, s0;
	s1 =	sshll.u32 s1, $0x11  }
0xbb: {  	s0 =	sor.u32 s1, s0  }
0xbc: {  	s0 =	sadd.s32 $0x8F2B, s0  }
0xbd: {  	[sflag:s0] =	ssyncadd.remote.s32 $0x1  }
0xbe: {  	_ =	sfence.sel $0xFFFF  }
0xbf: {  	[dreg:$0x0] =	wrdreg $0xFFFFFFFF;
	(pc) =	sbr.abs _section_cstart, $3  }
0xc0: {  	[dreg:$0x1] =	wrdreg $0xFFFFFFFF  }
0xc1: {  	_ =	task.clear_ibuf [dreg:s6], $0x2FFFF;
	_ =	strace $0x9FFFFFFF  }
0xc2: {  	(tm) =	ssettm $0x7FFFFFFF  }
0xc3: {  	_ =	shalt  }
tec
execute0_lowered:
.L_overlay_start_1:
0x0: {  	(tag) =	ssettag $0x1  }
0x1: {  	s0 =	rddreg [dreg:$0x0];
	s1 =	srdreg.scid  }
0x2: {  	s10 =	stileid.u32;
	s2 =	rddreg [dreg:$0x1];
	s3 =	simm.s32 $0x0  }
0x3: {  	s28 =	simm.s32 $0x6;
	s29 =	simm.s32 $0x1;
	s30 =	simm.s32 $0x50  }
0x4: {  	s31 =	simm.s32 $0x8F80;
	s1 =	sand.u32 $0x1, s1;
	s4 =	sshll.u32 s10, $0x1  }
0x5: {  	[smem:$0x7FF] =	sst s3;
	s9 =	smul.u32 $0x50000, s10;
	s11 =	sadd.s32 $0x1D400, s0  }
0x6: {  	s22 =	smul.u32 $0x14000, s10;
	s5 =	sor.u32 s1, s4;
	_ =	strace $0x8000004A  }
0x7: {  	s4 =	sadd.s32 $0x1DA00, s0;
	s7 =	ssub.s32 $0x2, s1;
	s1 =	smul.u32 $0x140000, s1  }
0x8: {  	[dreg:$0x3] =	wrdreg s11;
	s6 =	smul.u32 $0x4E2, s5;
	s5 =	sshll.u32 s5, $0xB  }
0x9: {  	s8 =	sshrl.u32 s7, $0x1;
	s21 =	sshrl.u32 s9, $0x2;
	s24 =	sor.u32 $0x2800, s22  }
0xa: {  	s25 =	sadd.s32 $0x5000, s22;
	s26 =	sadd.s32 $0x7800, s22;
	s16 =	sadd.s32 $0xA000, s22  }
0xb: {  	s17 =	sadd.s32 $0xC800, s22;
	s18 =	sadd.s32 $0xF000, s22;
	s9 =	sadd.s32 $0x11800, s22  }
0xc: {  	s5 =	sadd.s32 s5, s0;
	s7 =	ssub.s32 s7, s8;
	s8 =	sadd.s32 s21, s2  }
0xd: {  	s10 =	sadd.s32 s24, s2;
	s11 =	sadd.s32 s25, s2;
	s12 =	sadd.s32 s26, s2  }
0xe: {  	s13 =	sadd.s32 s16, s2;
	s14 =	sadd.s32 s17, s2;
	s15 =	sadd.s32 s18, s2  }
0xf: {  	s19 =	sadd.s32 s1, s22;
	s20 =	sadd.s32 s1, s16;
	s17 =	sadd.s32 s1, s17  }
0x10: {  	s22 =	sadd.s32 s1, s18;
	s16 =	sadd.s32 s9, s2;
	s6 =	sadd.s32 s6, s0  }
0x11: {  	s0 =	sadd.s32 $0x44C00, s0;
	s5 =	sadd.s32 $0xD400, s5;
	s23 =	smax.u32 s7, $0x1  }
0x12: {  	s19 =	sshrl.u32 s19, $0x3;
	s7 =	sadd.s32 s1, s26;
	[dreg:$0x5] =	wrdreg s5  }
0x13: {  	s26 =	sshrl.u32 s22, $0x3;
	s6 =	sadd.s32 $0x3600, s6;
	[dreg:$0x6] =	wrdreg s23  }
0x14: {  	s5 =	sadd.s32 s1, s24;
	s19 =	sadd.s32 s0, s19;
	s23 =	sshrl.u32 s7, $0x3  }
0x15: {  	s24 =	sshrl.u32 s20, $0x3;
	[dreg:$0x4] =	wrdreg s6;
	s5 =	sshrl.u32 s5, $0x3  }
0x16: {  	s6 =	sadd.s32 s1, s25;
	s1 =	sadd.s32 s1, s9;
	[dreg:$0x7] =	wrdreg s19  }
0x17: {  	s20 =	sadd.s32 s0, s23;
	s25 =	sshrl.u32 s17, $0x3;
	s23 =	sadd.s32 s0, s26  }
0x18: {  	s26 =	simm.s32 $0x6780;
	s5 =	sadd.s32 s0, s5;
	s21 =	sshrl.u32 s6, $0x3  }
0x19: {  	s1 =	sshrl.u32 s1, $0x3;
	s22 =	sadd.s32 s0, s25;
	s25 =	simm.s32 $0x4  }
0x1a: {  	s6 =	simm.s32 $0x0;
	[dreg:$0x8] =	wrdreg s5;
	s5 =	sadd.s32 s0, s21  }
0x1b: {  	s21 =	sadd.s32 s0, s24;
	s24 =	sadd.s32 s0, s1;
	s1 =	simm.s32 $0x2  }
0x1c: {  	s0 =	simm.s32 $0x3;
	[dreg:$0x9] =	wrdreg s5;
	s5 =	simm.s32 $0x5  }
.LBB2_1:
0x1d: {  	s7 =	rddreg [dreg:$0x4]  }
0x1e: {  	[tilespmem:s3], [sflag:$0x1] =	stream.linear.gather [hbm4b:s7+s3], $0x2710, $0x38;
	[tilespmem:$0x1F780] =	vst v63  }
0x1f: {  	s19 =	rddreg [dreg:$0x5];
	s9 =	simm.s32 $0x2780  }
0x20: {  	[tilespmem:s9], [sflag:$0x1] =	stream.linear.gather [hbm4b:s19+s3], $0x3E80, $0x38;
	[tilespmem:$0x1F780] =	vst v63  }
0x21: {  	s9 =	rddreg [dreg:$0x3]  }
0x22: {  	[tilespmem:s26], [sflag:$0x6] =	stream.linear.gather [hbm4b:s9+s3], $0x2800, $0x38;
	[tilespmem:$0x1F780] =	vst v63  }
0x23: {  	_ =	swait.ge [sflag:s28], $0x2800  }
0x24: {  	[sflag:s28] =	ssyncset.done $0x0  }
0x25: {  	[sflag:s28] =	ssyncadd.s32 $0xFFFFD800  }
0x26: {  	[spmem:s8] =	stream.linear.scatter [tilespmem:s26], [sflag:$0x6], $0x2800, $0x38;
	[tilespmem:$0x1F780] =	vst v63  }
0x27: {  	_ =	swait.ge [sflag:s28], $0x2800  }
0x28: {  	[sflag:s28] =	ssyncset.done $0x0  }
0x29: {  	[sflag:s28] =	ssyncadd.s32 $0xFFFFD800  }
0x2a: {  	[spmem:s10] =	stream.linear.scatter [tilespmem:s26], [sflag:$0x6], $0x2800, $0x38;
	[tilespmem:$0x1F780] =	vst v63  }
0x2b: {  	_ =	swait.ge [sflag:s28], $0x2800  }
0x2c: {  	[sflag:s28] =	ssyncset.done $0x0  }
0x2d: {  	[sflag:s28] =	ssyncadd.s32 $0xFFFFD800  }
0x2e: {  	[spmem:s11] =	stream.linear.scatter [tilespmem:s26], [sflag:$0x6], $0x2800, $0x38;
	[tilespmem:$0x1F780] =	vst v63  }
0x2f: {  	_ =	swait.ge [sflag:s28], $0x2800  }
0x30: {  	[sflag:s28] =	ssyncset.done $0x0  }
0x31: {  	[sflag:s28] =	ssyncadd.s32 $0xFFFFD800  }
0x32: {  	[spmem:s12] =	stream.linear.scatter [tilespmem:s26], [sflag:$0x6], $0x2800, $0x38;
	[tilespmem:$0x1F780] =	vst v63  }
0x33: {  	_ =	swait.ge [sflag:s28], $0x2800  }
0x34: {  	[sflag:s28] =	ssyncset.done $0x0  }
0x35: {  	[sflag:s28] =	ssyncadd.s32 $0xFFFFD800  }
0x36: {  	[spmem:s13] =	stream.linear.scatter [tilespmem:s26], [sflag:$0x6], $0x2800, $0x38;
	[tilespmem:$0x1F780] =	vst v63  }
0x37: {  	_ =	swait.ge [sflag:s28], $0x2800  }
0x38: {  	[sflag:s28] =	ssyncset.done $0x0  }
0x39: {  	[sflag:s28] =	ssyncadd.s32 $0xFFFFD800  }
0x3a: {  	[spmem:s14] =	stream.linear.scatter [tilespmem:s26], [sflag:$0x6], $0x2800, $0x38;
	[tilespmem:$0x1F780] =	vst v63  }
0x3b: {  	_ =	swait.ge [sflag:s28], $0x2800  }
0x3c: {  	[sflag:s28] =	ssyncset.done $0x0  }
0x3d: {  	[sflag:s28] =	ssyncadd.s32 $0xFFFFD800  }
0x3e: {  	[spmem:s15] =	stream.linear.scatter [tilespmem:s26], [sflag:$0x6], $0x2800, $0x38;
	[tilespmem:$0x1F780] =	vst v63  }
0x3f: {  	_ =	swait.ge [sflag:s28], $0x2800  }
0x40: {  	[sflag:s28] =	ssyncset.done $0x0  }
0x41: {  	[sflag:s28] =	ssyncadd.s32 $0xFFFFD800  }
0x42: {  	[spmem:s16] =	stream.linear.scatter [tilespmem:s26], [sflag:$0x6], $0x2800, $0x38;
	[tilespmem:$0x1F780] =	vst v63  }
0x43: {  	_ =	swait.ge [sflag:s28], $0x2800  }
0x44: {  	[sflag:s28] =	ssyncset.done $0x0  }
0x45: {  	[sflag:s28] =	ssyncadd.s32 $0xFFFFD800  }
0x46: {  	_ =	swait.ge [sflag:s29], $0x2710  }
0x47: {  	[sflag:s29] =	ssyncset.done $0x0  }
0x48: {  	[sflag:s29] =	ssyncadd.s32 $0xFFFFD8F0  }
0x49: {  	_ =	swait.ge [sflag:s29], $0x3E80  }
0x4a: {  	[sflag:s29] =	ssyncset.done $0x0  }
0x4b: {  	[sflag:s29] =	ssyncadd.s32 $0xFFFFC180  }
0x4c: {  	[bflag:$0x0] =	sbarrier.arrive $0xFFFF  }
0x4d: {  	[tilespmem:s26], [sflag:$0x2] =	stream.indirect.gather [hbm4b:s4+s30], $0x80, s3, s30, $0xb8;
	[tilespmem:$0x1F780] =	vst v63  }
0x4e: {  	_ = 	snop  }
0x4f: {  	[tilespmem:s31], [sflag:$0x3] =	stream.indirect.gather [hbm4b:s4+s30], $0x80, s30, s30, $0xb8;
	[tilespmem:$0x1F780] =	vst v63  }
0x50: {  	_ =	swait.ge [sflag:s1], $0x2800  }
0x51: {  	[sflag:s1] =	ssyncset.done $0x0  }
0x52: {  	s17 =	simm.s32 $0x2780;
	[sflag:s1] =	ssyncadd.s32 $0xFFFFD800  }
0x53: {  	[spmem:s2] =	stream.indirect.scatter.add.f32 [tilespmem:s26], [sflag:$0x4], $0x80, s17, s30, $0xb8;
	[tilespmem:$0x1F780] =	vst v63  }
0x54: {  	_ =	swait.ge [sflag:s0], $0x2800  }
0x55: {  	[sflag:s0] =	ssyncset.done $0x0  }
0x56: {  	s18 =	simm.s32 $0x2800;
	[sflag:s0] =	ssyncadd.s32 $0xFFFFD800  }
0x57: {  	[spmem:s2] =	stream.indirect.scatter.add.f32 [tilespmem:s31], [sflag:$0x5], $0x80, s18, s30, $0xb8;
	[tilespmem:$0x1F780] =	vst v63  }
0x58: {  	_ =	swait.ge [sflag:s25], $0x2800  }
0x59: {  	[sflag:s25] =	ssyncset.done $0x0  }
0x5a: {  	s19 =	simm.s32 $0xA0;
	[sflag:s25] =	ssyncadd.s32 $0xFFFFD800  }
0x5b: {  	[tilespmem:s26], [sflag:$0x2] =	stream.indirect.gather [hbm4b:s4+s30], $0x80, s19, s30, $0xb8;
	[tilespmem:$0x1F780] =	vst v63  }
0x5c: {  	_ =	swait.ge [sflag:s5], $0x2800  }
0x5d: {  	s7 =	simm.s32 $0xF0;
	[sflag:s5] =	ssyncset.done $0x0  }
0x5e: {  	s9 =	simm.s32 $0x400;
	s17 =	simm.s32 $0x190;
	[sflag:s5] =	ssyncadd.s32 $0xFFFFD800  }
.LBB2_2:
0x5f: {  	[tilespmem:s31], [sflag:$0x3] =	stream.indirect.gather [hbm4b:s4+s30], $0x80, s7, s30, $0xb8;
	[tilespmem:$0x1F780] =	vst v63  }
0x60: {  	s18 =	smov.u32 s9;
	s7 =	smov.u32 s17  }
0x61: {  	p0 =	sne.s32 s9, $0xF000;
	s9 =	sadd.s32 $0x400, s9;
	_ =	swait.ge [sflag:s1], $0x2800  }
0x62: {  	s18 =	sshra.s32 s18, $0x2;
	[sflag:s1] =	ssyncset.done $0x0  }
0x63: {  	s19 =	sadd.s32 $0x2780, s18;
	[sflag:s1] =	ssyncadd.s32 $0xFFFFD800  }
0x64: {  	[spmem:s2] =	stream.indirect.scatter.add.f32 [tilespmem:s26], [sflag:$0x4], $0x80, s19, s30, $0xb8;
	[tilespmem:$0x1F780] =	vst v63  }
0x65: {  	_ =	swait.ge [sflag:s0], $0x2800  }
0x66: {  	[sflag:s0] =	ssyncset.done $0x0  }
0x67: {  	s18 =	sadd.s32 $0x2800, s18;
	[sflag:s0] =	ssyncadd.s32 $0xFFFFD800  }
0x68: {  	[spmem:s2] =	stream.indirect.scatter.add.f32 [tilespmem:s31], [sflag:$0x5], $0x80, s18, s30, $0xb8;
	[tilespmem:$0x1F780] =	vst v63  }
0x69: {  	_ =	swait.ge [sflag:s25], $0x2800  }
0x6a: {  	[sflag:s25] =	ssyncset.done $0x0  }
.Ltmp0:
0x6b: {  	s18 =	sadd.s32 $0xFFFFFFB0, s17;
	[sflag:s25] =	ssyncadd.s32 $0xFFFFD800;
	(pc) =	sbr.rel @p0 .LBB2_2-.Ltmp0, $4  }
0x6c: {  	[tilespmem:s26], [sflag:$0x2] =	stream.indirect.gather [hbm4b:s4+s30], $0x80, s18, s30, $0xb8;
	[tilespmem:$0x1F780] =	vst v63  }
0x6d: {  	_ =	swait.ge [sflag:s5], $0x2800  }
0x6e: {  	[sflag:s5] =	ssyncset.done $0x0  }
0x6f: {  	s17 =	sadd.s32 $0xA0, s17;
	[sflag:s5] =	ssyncadd.s32 $0xFFFFD800  }
0x70: {  	[tilespmem:s31], [sflag:$0x3] =	stream.indirect.gather [hbm4b:s4+s30], $0x80, s7, s30, $0xb8;
	[tilespmem:$0x1F780] =	vst v63  }
0x71: {  	_ =	swait.ge [sflag:s1], $0x2800  }
0x72: {  	[sflag:s1] =	ssyncset.done $0x0  }
0x73: {  	s9 =	simm.s32 $0x6480;
	[sflag:s1] =	ssyncadd.s32 $0xFFFFD800  }
0x74: {  	[spmem:s2] =	stream.indirect.scatter.add.f32 [tilespmem:s26], [sflag:$0x4], $0x80, s9, s30, $0xb8;
	[tilespmem:$0x1F780] =	vst v63  }
0x75: {  	_ =	swait.ge [sflag:s0], $0x2800  }
0x76: {  	[sflag:s0] =	ssyncset.done $0x0  }
0x77: {  	s17 =	simm.s32 $0x6500;
	[sflag:s0] =	ssyncadd.s32 $0xFFFFD800  }
0x78: {  	[spmem:s2] =	stream.indirect.scatter.add.f32 [tilespmem:s31], [sflag:$0x5], $0x80, s17, s30, $0xb8;
	[tilespmem:$0x1F780] =	vst v63  }
0x79: {  	_ =	swait.ge [sflag:s25], $0x2800  }
0x7a: {  	[sflag:s25] =	ssyncset.done $0x0  }
0x7b: {  	s18 =	simm.s32 $0x26C0;
	[sflag:s25] =	ssyncadd.s32 $0xFFFFD800  }
0x7c: {  	[tilespmem:s26], [sflag:$0x2] =	stream.indirect.gather [hbm4b:s4+s30], $0x80, s18, s30, $0xb8;
	[tilespmem:$0x1F780] =	vst v63  }
0x7d: {  	_ =	swait.ge [sflag:s5], $0x2800  }
0x7e: {  	[sflag:s5] =	ssyncset.done $0x0  }
0x7f: {  	[sflag:s5] =	ssyncadd.s32 $0xFFFFD800  }
0x80: {  	_ =	swait.ge [sflag:s1], $0x2800  }
0x81: {  	[sflag:s1] =	ssyncset.done $0x0  }
0x82: {  	s19 =	simm.s32 $0x6580;
	[sflag:s1] =	ssyncadd.s32 $0xFFFFD800  }
0x83: {  	[spmem:s2] =	stream.indirect.scatter.add.f32 [tilespmem:s26], [sflag:$0x4], $0x80, s19, s30, $0xb8;
	[tilespmem:$0x1F780] =	vst v63  }
0x84: {  	_ =	swait.ge [sflag:s25], $0x2800  }
0x85: {  	[sflag:s25] =	ssyncset.done $0x0  }
0x86: {  	[sflag:s25] =	ssyncadd.s32 $0xFFFFD800  }
0x87: {  	[bflag:$0x0] =	sbarrier.arrive $0xFFFF  }
0x88: {  	[tilespmem:s26], [sflag:$0x6] =	stream.linear.gather [spmem:s8], $0x2800, $0x38;
	[tilespmem:$0x1F780] =	vst v63  }
0x89: {  	_ =	swait.ge [sflag:s28], $0x2800  }
0x8a: {  	[sflag:s28] =	ssyncset.done $0x0  }
0x8b: {  	s9 =	rddreg [dreg:$0x7];
	[sflag:s28] =	ssyncadd.s32 $0xFFFFD800  }
0x8c: {  	[hbm4b:s9+s3] =	stream.linear.scatter [tilespmem:s26], [sflag:$0x6], $0x2800, $0x38;
	[tilespmem:$0x1F780] =	vst v63  }
0x8d: {  	_ =	swait.ge [sflag:s28], $0x2800  }
0x8e: {  	[sflag:s28] =	ssyncset.done $0x0  }
0x8f: {  	[sflag:s28] =	ssyncadd.s32 $0xFFFFD800  }
0x90: {  	[tilespmem:s26], [sflag:$0x6] =	stream.linear.gather [spmem:s10], $0x2800, $0x38;
	[tilespmem:$0x1F780] =	vst v63  }
0x91: {  	_ =	swait.ge [sflag:s28], $0x2800  }
0x92: {  	[sflag:s28] =	ssyncset.done $0x0  }
0x93: {  	s17 =	rddreg [dreg:$0x8];
	[sflag:s28] =	ssyncadd.s32 $0xFFFFD800  }
0x94: {  	[hbm4b:s17+s3] =	stream.linear.scatter [tilespmem:s26], [sflag:$0x6], $0x2800, $0x38;
	[tilespmem:$0x1F780] =	vst v63  }
0x95: {  	_ =	swait.ge [sflag:s28], $0x2800  }
0x96: {  	[sflag:s28] =	ssyncset.done $0x0  }
0x97: {  	[sflag:s28] =	ssyncadd.s32 $0xFFFFD800  }
0x98: {  	[tilespmem:s26], [sflag:$0x6] =	stream.linear.gather [spmem:s11], $0x2800, $0x38;
	[tilespmem:$0x1F780] =	vst v63  }
0x99: {  	_ =	swait.ge [sflag:s28], $0x2800  }
0x9a: {  	[sflag:s28] =	ssyncset.done $0x0  }
0x9b: {  	s18 =	rddreg [dreg:$0x9];
	[sflag:s28] =	ssyncadd.s32 $0xFFFFD800  }
0x9c: {  	[hbm4b:s18+s3] =	stream.linear.scatter [tilespmem:s26], [sflag:$0x6], $0x2800, $0x38;
	[tilespmem:$0x1F780] =	vst v63  }
0x9d: {  	_ =	swait.ge [sflag:s28], $0x2800  }
0x9e: {  	[sflag:s28] =	ssyncset.done $0x0  }
0x9f: {  	[sflag:s28] =	ssyncadd.s32 $0xFFFFD800  }
0xa0: {  	[tilespmem:s26], [sflag:$0x6] =	stream.linear.gather [spmem:s12], $0x2800, $0x38;
	[tilespmem:$0x1F780] =	vst v63  }
0xa1: {  	_ =	swait.ge [sflag:s28], $0x2800  }
0xa2: {  	[sflag:s28] =	ssyncset.done $0x0  }
0xa3: {  	[sflag:s28] =	ssyncadd.s32 $0xFFFFD800  }
0xa4: {  	[hbm4b:s20+s3] =	stream.linear.scatter [tilespmem:s26], [sflag:$0x6], $0x2800, $0x38;
	[tilespmem:$0x1F780] =	vst v63  }
0xa5: {  	_ =	swait.ge [sflag:s28], $0x2800  }
0xa6: {  	[sflag:s28] =	ssyncset.done $0x0  }
0xa7: {  	[sflag:s28] =	ssyncadd.s32 $0xFFFFD800  }
0xa8: {  	[tilespmem:s26], [sflag:$0x6] =	stream.linear.gather [spmem:s13], $0x2800, $0x38;
	[tilespmem:$0x1F780] =	vst v63  }
0xa9: {  	_ =	swait.ge [sflag:s28], $0x2800  }
0xaa: {  	[sflag:s28] =	ssyncset.done $0x0  }
0xab: {  	[sflag:s28] =	ssyncadd.s32 $0xFFFFD800  }
0xac: {  	[hbm4b:s21+s3] =	stream.linear.scatter [tilespmem:s26], [sflag:$0x6], $0x2800, $0x38;
	[tilespmem:$0x1F780] =	vst v63  }
0xad: {  	_ =	swait.ge [sflag:s28], $0x2800  }
0xae: {  	[sflag:s28] =	ssyncset.done $0x0  }
0xaf: {  	[sflag:s28] =	ssyncadd.s32 $0xFFFFD800  }
0xb0: {  	[tilespmem:s26], [sflag:$0x6] =	stream.linear.gather [spmem:s14], $0x2800, $0x38;
	[tilespmem:$0x1F780] =	vst v63  }
0xb1: {  	_ =	swait.ge [sflag:s28], $0x2800  }
0xb2: {  	[sflag:s28] =	ssyncset.done $0x0  }
0xb3: {  	[sflag:s28] =	ssyncadd.s32 $0xFFFFD800  }
0xb4: {  	[hbm4b:s22+s3] =	stream.linear.scatter [tilespmem:s26], [sflag:$0x6], $0x2800, $0x38;
	[tilespmem:$0x1F780] =	vst v63  }
0xb5: {  	_ =	swait.ge [sflag:s28], $0x2800  }
0xb6: {  	[sflag:s28] =	ssyncset.done $0x0  }
0xb7: {  	[sflag:s28] =	ssyncadd.s32 $0xFFFFD800  }
0xb8: {  	[tilespmem:s26], [sflag:$0x6] =	stream.linear.gather [spmem:s15], $0x2800, $0x38;
	[tilespmem:$0x1F780] =	vst v63  }
0xb9: {  	_ =	swait.ge [sflag:s28], $0x2800  }
0xba: {  	[sflag:s28] =	ssyncset.done $0x0  }
0xbb: {  	[sflag:s28] =	ssyncadd.s32 $0xFFFFD800  }
0xbc: {  	[hbm4b:s23+s3] =	stream.linear.scatter [tilespmem:s26], [sflag:$0x6], $0x2800, $0x38;
	[tilespmem:$0x1F780] =	vst v63  }
0xbd: {  	_ =	swait.ge [sflag:s28], $0x2800  }
0xbe: {  	[sflag:s28] =	ssyncset.done $0x0  }
0xbf: {  	[sflag:s28] =	ssyncadd.s32 $0xFFFFD800  }
0xc0: {  	[tilespmem:s26], [sflag:$0x6] =	stream.linear.gather [spmem:s16], $0x2800, $0x38;
	[tilespmem:$0x1F780] =	vst v63  }
0xc1: {  	_ =	swait.ge [sflag:s28], $0x2800  }
0xc2: {  	[sflag:s28] =	ssyncset.done $0x0  }
0xc3: {  	[sflag:s28] =	ssyncadd.s32 $0xFFFFD800  }
0xc4: {  	[hbm4b:s24+s3] =	stream.linear.scatter [tilespmem:s26], [sflag:$0x6], $0x2800, $0x38;
	[tilespmem:$0x1F780] =	vst v63  }
0xc5: {  	_ =	swait.ge [sflag:s28], $0x2800  }
0xc6: {  	s6 =	sadd.s32 $0x1, s6;
	s19 =	rddreg [dreg:$0x6]  }
0xc7: {  	p0 =	sne.s32 s6, s19  }
.Ltmp1:
0xc8: {  	_ = 	snop;
	(pc) =	sbr.rel @p0 .LBB2_1-.Ltmp1, $3  }
0xc9: {  	_ =	sdelay $0x1  }
0xca: {  	[sflag:s28] =	ssyncset.done $0x0  }
0xcb: {  	[sflag:s28] =	ssyncadd.s32 $0xFFFFD800  }
0xcc: {  	_ =	sfence.sel $0x180000  }
0xcd: {  	[bflag:$0x0] =	sbarrier.arrive $0xFFFF  }
0xce: {  	_ =	strace $0x9000004A  }
0xcf: {  	s0 =	stileid.u32;
	[bflag:$0x2] =	sbarrier.arrive $0xFFFF  }
0xd0: {  	p0 =	sne.s32 s0, $0x0;
	s0 =	rddreg [dreg:$0x2]  }
0xd1: {  	s0 =	sadd.s32 @!p0 $0x100000, s0  }
0xd2: {  	[sflag:s0] =	ssyncadd.tile.s32 @!p0 $0x1;
	_ =	shalt  }
.Lfunc_end2:
_tile_overlayer_lowered:
.L_overlay_start_2:
0xd3: {  	(tag) =	ssettag $0x2  }
0xd4: {  	s0 =	rddreg [dreg:$0x0];
	s2 =	stileid.u32  }
0xd5: {  	s1 =	rddreg [dreg:$0x1];
	p0 =	sne.s32 s2, $0x0  }
0xd6: {  	s3 =	rddreg [dreg:$0x2];
	[bflag:$0x3] =	sbarrier.arrive $0xFFFF;
	s2 =	simm.s32 @!p0 $0x1C06  }
0xd7: {  	[timem:s3], [sflag:s2] =	dma.local @!p0 [hbm:s0], s1  }
0xd8: {  	s0 =	simm.s32 @!p0 $0x6  }
0xd9: {  	_ =	swait.ge @!p0 [sflag:s0], s1  }
0xda: {  	s1 =	ssub.s32 @!p0 $0x0, s1;
	[sflag:s0] =	ssyncset.done @!p0 $0x0  }
0xdb: {  	[sflag:s0] =	ssyncadd.s32 @!p0 s1  }
0xdc: {  	[bflag:$0x3] =	sbarrier.arrive $0xFFFF  }
0xdd: {  	_ =	shalt  }

// kernel: kernel.8.cloned.1.call-start
scs
__scs_entry_jumppad:
0x0: {  	(pc) =	sbr.rel $0x88, $3  }
0x1: {  	(tag) =	ssettag $0x0;
	lr =	simm.s32 $0x1  }
0x2: {  	[smem:$0x3F92] =	sst lr;
	_ =	strace $0xD0000000  }
0x3: {  	_ = 	snop  }
0x4: {  	_ = 	snop  }
0x5: {  	_ = 	snop  }
0x6: {  	_ = 	snop  }
0x7: {  	_ = 	snop  }
__scs_overlays_trampoline_lowered:
0x8: {  	[smem:$0x3FA1] =	sst s0  }
0x9: {  	[smem:$0x3FA2] =	sst s1  }
0xa: {  	[smem:$0x3FA3] =	sst s2  }
0xb: {  	[smem:$0x3FA4] =	sst s3  }
0xc: {  	[smem:$0x3FA5] =	sst s4  }
0xd: {  	[smem:$0x3FA6] =	sst s5  }
0xe: {  	[smem:$0x3FA7] =	sst s6  }
0xf: {  	[smem:$0x3FA8] =	sst s7  }
0x10: {  	[smem:$0x3FA9] =	sst s8  }
0x11: {  	[smem:$0x3FAA] =	sst s9;
	s0 =	simm.s32 @!p0 $0x0  }
0x12: {  	s1 =	sld [smem:$0x3F90];
	s0 =	simm.s32 @p0 $0x1  }
0x13: {  	[smem:$0x3FAB] =	sst s0;
	s0 =	simm.s32 @!p1 $0x0  }
0x14: {  	s2 =	sld [smem:$0x3F8F];
	s0 =	simm.s32 @p1 $0x1  }
0x15: {  	[smem:$0x3FAC] =	sst s0;
	s0 =	simm.s32 @!p2 $0x0  }
0x16: {  	s3 =	sld [smem:$0x3FDB];
	s0 =	simm.s32 @p2 $0x1  }
0x17: {  	s4 =	simm.s32 $0x1BF5;
	[smem:$0x3FAE] =	sst s0  }
0x18: {  	s0 =	sld [smem:$0x3F91];
	_ =	swait.ge [sflag:s4], $0x0  }
0x19: {  	s7 =	sld [smem:$0x3F92]  }
0x1a: {  	s8 =	sadd.s32 $0xFFFFE003, lr  }
0x1b: {  	s9 =	sadd.s32 $0xFFFFFEF7, lr;
	s5 =	simm.s32 $0xFFFFFFFF;
	p2 =	slt.u32 s8, $0xFFFFF086  }
0x1c: {  	p1 =	slt.u32 s9, $0xF7A;
	s5 =	simm.s32 @!p2 $0x0  }
0x1d: {  	s5 =	simm.s32 @p1 $0x1;
	p0 =	seq.s32 s7, s2  }
0x1e: {  	s7 =	smul.u32 @!p0 $0xF7A, s2;
	p2 =	seq.s32 @!p0 s5, $0x0  }
0x1f: {  	s9 =	smul.u32 $0xF7A, s1;
	s8 =	simm.s32 @!p0 $0x1BF5;
	p2 =	por !p2, p0  }
0x20: {  	[sflag:s8] =	ssyncset.s32 @!p0 $0xFFFFF086;
	s6 =	sadd.s32 @!p0 s3, s7;
	s7 =	simm.s32 @!p0 $0x108  }
0x21: {  	s3 =	sadd.s32 s3, s9;
	s6 =	sadd.s32 @!p0 $0x88, s6;
	s7 =	simm.s32 @p2 $0x1082  }
0x22: {  	[simem:s7], [sflag:s8] =	dma.local @!p0 [hbm:s6], $0xF7A  }
0x23: {  	s9 =	sor.u32 $0xD0000000, s2;
	s6 =	simm.s32 $0x108;
	_ =	swait.ge @!p0 [sflag:s8], $0x0  }
0x24: {  	s3 =	sadd.s32 $0x88, s3;
	s6 =	simm.s32 @!p1 $0x1082;
	[sflag:s4] =	ssyncset.s32 $0xFFFFF086  }
0x25: {  	[simem:s6], [sflag:s4] =	dma.local [hbm:s3], $0xF7A  }
0x26: {  	[smem:$0x3F92] =	sst s1;
	(tag) =	ssettag s2;
	_ =	strace s9  }
0x27: {  	s1 =	sld [smem:$0x3FA2]  }
0x28: {  	s2 =	sld [smem:$0x3FA3]  }
0x29: {  	s4 =	sld [smem:$0x3FA5]  }
0x2a: {  	p0 =	seq.s32 s5, $0x0;
	s5 =	sld [smem:$0x3FA6]  }
0x2b: {  	s6 =	sld [smem:$0x3FA7]  }
0x2c: {  	s7 =	sld [smem:$0x3FA8]  }
0x2d: {  	s3 =	simm.s32 $0x108;
	s8 =	sld [smem:$0x3FA9]  }
0x2e: {  	s3 =	simm.s32 @!p0 $0x1082;
	s9 =	sld [smem:$0x3FAA]  }
0x2f: {  	lr =	sadd.s32 s0, s3;
	s0 =	sld [smem:$0x3FA1]  }
0x30: {  	s3 =	sld [smem:$0x3FA4]  }
0x31: {  	[smem:$0x3FAD] =	sst s10  }
0x32: {  	s10 =	sld [smem:$0x3FAB];
	_ =	sdelay $0x3  }
0x33: {  	p0 =	seq.s32 s10, $0x1;
	s10 =	sld [smem:$0x3FAD];
	_ =	sdelay $0x3  }
0x34: {  	[smem:$0x3FAD] =	sst s10  }
0x35: {  	s10 =	sld [smem:$0x3FAC];
	_ =	sdelay $0x3  }
0x36: {  	p1 =	seq.s32 s10, $0x1;
	s10 =	sld [smem:$0x3FAD];
	_ =	sdelay $0x3  }
0x37: {  	[smem:$0x3FAD] =	sst s10  }
0x38: {  	s10 =	sld [smem:$0x3FAE]  }
0x39: {  	_ = 	snop;
	(pc) =	sbr.ind lr, $3  }
0x3a: {  	_ = 	snop  }
0x3b: {  	_ = 	snop  }
0x3c: {  	p2 =	seq.s32 s10, $0x1;
	s10 =	sld [smem:$0x3FAD]  }
0x3d: {  	_ =	shalt  }
0x3e: {  	_ =	shalt  }
0x3f: {  	_ =	shalt  }
0x40: {  	_ =	shalt  }
0x41: {  	_ =	shalt  }
0x42: {  	_ =	shalt  }
0x43: {  	_ =	shalt  }
0x44: {  	_ =	shalt  }
0x45: {  	_ =	shalt  }
0x46: {  	_ =	shalt  }
0x47: {  	_ =	shalt  }
0x48: {  	_ =	shalt  }
0x49: {  	_ =	shalt  }
0x4a: {  	_ =	shalt  }
0x4b: {  	_ =	shalt  }
0x4c: {  	_ =	shalt  }
0x4d: {  	_ =	shalt  }
0x4e: {  	_ =	shalt  }
0x4f: {  	_ =	shalt  }
0x50: {  	_ =	shalt  }
0x51: {  	_ =	shalt  }
0x52: {  	_ =	shalt  }
0x53: {  	_ =	shalt  }
0x54: {  	_ =	shalt  }
0x55: {  	_ =	shalt  }
0x56: {  	_ =	shalt  }
0x57: {  	_ =	shalt  }
0x58: {  	_ =	shalt  }
0x59: {  	_ =	shalt  }
0x5a: {  	_ =	shalt  }
0x5b: {  	_ =	shalt  }
0x5c: {  	_ =	shalt  }
0x5d: {  	_ =	shalt  }
0x5e: {  	_ =	shalt  }
0x5f: {  	_ =	shalt  }
0x60: {  	_ =	shalt  }
0x61: {  	_ =	shalt  }
0x62: {  	_ =	shalt  }
0x63: {  	_ =	shalt  }
0x64: {  	_ =	shalt  }
0x65: {  	_ =	shalt  }
0x66: {  	_ =	shalt  }
0x67: {  	_ =	shalt  }
0x68: {  	_ =	shalt  }
0x69: {  	_ =	shalt  }
0x6a: {  	_ =	shalt  }
0x6b: {  	_ =	shalt  }
0x6c: {  	_ =	shalt  }
0x6d: {  	_ =	shalt  }
0x6e: {  	_ =	shalt  }
0x6f: {  	_ =	shalt  }
0x70: {  	_ =	shalt  }
0x71: {  	_ =	shalt  }
0x72: {  	_ =	shalt  }
0x73: {  	_ =	shalt  }
0x74: {  	_ =	shalt  }
0x75: {  	_ =	shalt  }
0x76: {  	_ =	shalt  }
0x77: {  	_ =	shalt  }
0x78: {  	_ =	shalt  }
0x79: {  	_ =	shalt  }
0x7a: {  	_ =	shalt  }
0x7b: {  	_ =	shalt  }
0x7c: {  	_ =	shalt  }
0x7d: {  	_ =	shalt  }
0x7e: {  	_ =	shalt  }
0x7f: {  	_ =	shalt  }
0x80: {  	_ =	shalt  }
0x81: {  	_ =	shalt  }
0x82: {  	_ =	shalt  }
0x83: {  	_ =	shalt  }
0x84: {  	_ =	shalt  }
0x85: {  	_ =	shalt  }
0x86: {  	_ =	shalt  }
0x87: {  	_ =	shalt  }
.Lfunc_end0:
.L_simem_size_0:
called_computation_lowered:
.L_overlay_start_0:
0x88: {  	s2 =	sld [smem:$0x3FD9]  }
0x89: {  	s3 =	sld [smem:$0x3FFE];
	_ =	sdelay $0x1  }
0x8a: {  	s1 =	srdreg.scid  }
0x8b: {  	s0 =	sand.u32 $0x1, s1  }
0x8c: {  	s17 =	sshll.u32 s0, $0xA;
	s2 =	sadd.s32 s3, s2  }
0x8d: {  	s2 =	sadd.s32 s2, s17  }
0x8e: {  	[smem:$0x3FB9] =	sst s2  }
0x8f: {  	_ = 	snop  }
0x90: {  	s2 =	sld [smem:$0x3FC9];
	(tm) =	ssettm $0x1  }
0x91: {  	s18 =	sld [smem:$0x3FFB];
	_ =	sdelay $0x3  }
0x92: {  	_ =	strace s18  }
0x93: {  	s3 =	sld [smem:$0x3FFC];
	_ =	sdelay $0x3  }
0x94: {  	_ =	strace s3  }
0x95: {  	s3 =	sld [smem:$0x3FFD];
	_ =	sdelay $0x3  }
0x96: {  	_ =	strace s3  }
0x97: {  	_ =	strace $0x8FFFFFFF  }
0x98: {  	s19 =	sld [smem:$0x3FDB];
	_ =	sdelay $0x1  }
0x99: {  	s4 =	simm.s32 $_scs_section_size  }
0x9a: {  	s5 =	simm.s32 $_size__tile_overlayer_lowered;
	s6 =	simm.s32 $_tile_overlayer_lowered  }
0x9b: {  	s22 =	simm.s32 $0x1BFF;
	s21 =	sshll.u32 s6, $0x1;
	s3 =	sadd.s32 s4, s19  }
0x9c: {  	s7 =	simm.s32 $0x0;
	s20 =	sshll.u32 s5, $0x1;
	s5 =	sadd.s32 s21, s3  }
0x9d: {  	[timem:s7], [sflag:s22] =	dma.local [hbm:s5], s20  }
0x9e: {  	_ =	swait.ge [sflag:s22], s20  }
0x9f: {  	s4 =	ssub.s32 $0x0, s20;
	[sflag:s22] =	ssyncset.done $0x0  }
0xa0: {  	[sflag:s22] =	ssyncadd.s32 s4;
	_ =	sdelay $0x1  }
0xa1: {  	s23 =	simm.s32 $0x1B8B  }
0xa2: {  	_ =	swait.ge [sflag:s23], $0x1  }
0xa3: {  	[sflag:s23] =	ssyncset.done $0x0  }
0xa4: {  	s25 =	simm.s32 $0x1B8E;
	s24 =	sld [smem:$0x3FFE];
	[sflag:s23] =	ssyncadd.s32 $0xFFFFFFFF  }
0xa5: {  	s26 =	simm.s32 $execute0_lowered;
	[smem:$0x3FD2] =	sst s25  }
0xa6: {  	s5 =	sshll.u32 s26, $0x1;
	_ =	strace $0x80000046;
	[dreg:$0x1] =	wrdreg $0xFFFFFFFF  }
0xa7: {  	s28 =	simm.s32 $_size_execute0_lowered;
	s3 =	sadd.s32 s3, s5;
	[dreg:$0x0] =	wrdreg $0x0  }
0xa8: {  	s5 =	sshll.u32 s28, $0x1;
	[dreg:$0x2] =	wrdreg s3  }
0xa9: {  	[dreg:$0x3] =	wrdreg s5  }
0xaa: {  	[dreg:$0x4] =	wrdreg $0xC0  }
0xab: {  	_ =	task [dreg:s7], $0x5FFFF  }
0xac: {  	[dreg:$0x1] =	wrdreg $0xFFFFFFFF  }
0xad: {  	[dreg:$0x0] =	wrdreg $0x60  }
0xae: {  	[dreg:$0x2] =	wrdreg s2  }
0xaf: {  	[dreg:$0x3] =	wrdreg s24  }
0xb0: {  	[dreg:$0x4] =	wrdreg $0xB7800  }
0xb1: {  	[dreg:$0x5] =	wrdreg $0x9  }
0xb2: {  	_ =	task.clear_ibuf [dreg:s7], $0x6FFFF;
	_ =	strace $0x90000046  }
0xb3: {  	s29 =	simm.s32 $0x9;
	_ =	strace $0x80000048  }
0xb4: {  	_ =	swait.ge [sflag:s29], $0x1  }
0xb5: {  	[sflag:s29] =	ssyncadd.s32 $0xFFFFFFFF  }
0xb6: {  	_ =	strace $0x90000048  }
0xb7: {  	_ =	sfence  }
0xb8: {  	s30 =	sld [smem:$0x0];
	_ =	sdelay $0x2  }
0xb9: {  	s31 =	sshll.u32 s1, $0xD;
	s1 =	sshrl.u32 s1, $0x2  }
0xba: {  	s3 =	sand.u32 $0x4000, s31;
	s1 =	sadd.s32 s1, s30  }
0xbb: {  	s0 =	sor.u32 s3, s0;
	s1 =	sshll.u32 s1, $0x11  }
0xbc: {  	s0 =	sor.u32 s1, s0  }
0xbd: {  	s0 =	sadd.s32 $0x8F2B, s0  }
0xbe: {  	[sflag:s0] =	ssyncadd.remote.s32 $0x1  }
0xbf: {  	_ =	sfence.sel $0xFFFF  }
0xc0: {  	[dreg:$0x0] =	wrdreg $0xFFFFFFFF;
	(pc) =	sbr.abs _section_cstart, $3  }
0xc1: {  	[dreg:$0x1] =	wrdreg $0xFFFFFFFF  }
0xc2: {  	_ =	task.clear_ibuf [dreg:s7], $0x2FFFF;
	_ =	strace $0x9FFFFFFF  }
0xc3: {  	(tm) =	ssettm $0x7FFFFFFF  }
tec
execute0_lowered:
.L_overlay_start_1:
0x0: {  	(tag) =	ssettag $0x1  }
0x1: {  	s1 =	rddreg [dreg:$0x0]  }
0x2: {  	s0 =	rddreg [dreg:$0x1];
	s2 =	srdreg.scid  }
0x3: {  	s10 =	stileid.u32;
	s3 =	rddreg [dreg:$0x2]  }
0x4: {  	s4 =	simm.s32 $0x0;
	s28 =	simm.s32 $0x6;
	s29 =	simm.s32 $0x1  }
0x5: {  	s30 =	simm.s32 $0x50;
	s31 =	simm.s32 $0x8F80;
	s2 =	sand.u32 $0x1, s2  }
0x6: {  	s5 =	sshll.u32 s10, $0x1;
	[smem:$0x7FF] =	sst s4;
	s9 =	smul.u32 $0x50000, s10  }
0x7: {  	s11 =	sadd.s32 $0x1D400, s0;
	s22 =	smul.u32 $0x14000, s10;
	s5 =	sor.u32 s2, s5  }
0x8: {  	_ =	strace $0x80000047;
	s7 =	ssub.s32 $0x2, s2;
	s2 =	smul.u32 $0x140000, s2  }
0x9: {  	[dreg:$0x4] =	wrdreg s11;
	s6 =	smul.u32 $0x4E2, s5;
	s5 =	sshll.u32 s5, $0xB  }
0xa: {  	s8 =	sshrl.u32 s7, $0x1;
	s21 =	sshrl.u32 s9, $0x2;
	s24 =	sor.u32 $0x2800, s22  }
0xb: {  	s25 =	sadd.s32 $0x5000, s22;
	s26 =	sadd.s32 $0x7800, s22;
	s16 =	sadd.s32 $0xA000, s22  }
0xc: {  	s17 =	sadd.s32 $0xC800, s22;
	s18 =	sadd.s32 $0xF000, s22;
	s9 =	sadd.s32 $0x11800, s22  }
0xd: {  	s5 =	sadd.s32 s5, s0;
	s7 =	ssub.s32 s7, s8;
	s8 =	sadd.s32 s21, s3  }
0xe: {  	s10 =	sadd.s32 s24, s3;
	s11 =	sadd.s32 s25, s3;
	s12 =	sadd.s32 s26, s3  }
0xf: {  	s13 =	sadd.s32 s16, s3;
	s14 =	sadd.s32 s17, s3;
	s15 =	sadd.s32 s18, s3  }
0x10: {  	s19 =	sadd.s32 s2, s22;
	s20 =	sadd.s32 s2, s16;
	s17 =	sadd.s32 s2, s17  }
0x11: {  	s22 =	sadd.s32 s2, s18;
	s16 =	sadd.s32 s9, s3;
	s6 =	sadd.s32 s6, s0  }
0x12: {  	s0 =	sadd.s32 $0x1DA00, s0;
	s5 =	sadd.s32 $0xD400, s5;
	s23 =	smax.u32 s7, $0x1  }
0x13: {  	s19 =	sshrl.u32 s19, $0x3;
	s7 =	sadd.s32 s2, s26;
	[dreg:$0x6] =	wrdreg s5  }
0x14: {  	s26 =	sshrl.u32 s22, $0x3;
	s6 =	sadd.s32 $0x3600, s6;
	[dreg:$0x7] =	wrdreg s23  }
0x15: {  	s5 =	sadd.s32 s2, s24;
	s19 =	sadd.s32 s0, s19;
	s23 =	sshrl.u32 s7, $0x3  }
0x16: {  	s24 =	sshrl.u32 s20, $0x3;
	[dreg:$0x5] =	wrdreg s6;
	s5 =	sshrl.u32 s5, $0x3  }
0x17: {  	s6 =	sadd.s32 s2, s25;
	s2 =	sadd.s32 s2, s9;
	[dreg:$0x8] =	wrdreg s19  }
0x18: {  	s20 =	sadd.s32 s0, s23;
	s25 =	sshrl.u32 s17, $0x3;
	s23 =	sadd.s32 s0, s26  }
0x19: {  	s26 =	simm.s32 $0x6780;
	s5 =	sadd.s32 s0, s5;
	s21 =	sshrl.u32 s6, $0x3  }
0x1a: {  	s2 =	sshrl.u32 s2, $0x3;
	s22 =	sadd.s32 s0, s25;
	s25 =	simm.s32 $0x4  }
0x1b: {  	s6 =	simm.s32 $0x0;
	[dreg:$0x9] =	wrdreg s5;
	s5 =	sadd.s32 s0, s21  }
0x1c: {  	s21 =	sadd.s32 s0, s24;
	s24 =	sadd.s32 s0, s2;
	s2 =	simm.s32 $0x2  }
0x1d: {  	s0 =	simm.s32 $0x3;
	[dreg:$0xa] =	wrdreg s5;
	s5 =	simm.s32 $0x5  }
.LBB2_1:
0x1e: {  	s7 =	rddreg [dreg:$0x5]  }
0x1f: {  	[tilespmem:s4], [sflag:$0x1] =	stream.linear.gather [hbm4b:s7+s4], $0x2710, $0x38;
	[tilespmem:$0x1F780] =	vst v63  }
0x20: {  	s19 =	rddreg [dreg:$0x6];
	s9 =	simm.s32 $0x2780  }
0x21: {  	[tilespmem:s9], [sflag:$0x1] =	stream.linear.gather [hbm4b:s19+s4], $0x3E80, $0x38;
	[tilespmem:$0x1F780] =	vst v63  }
0x22: {  	s9 =	rddreg [dreg:$0x4]  }
0x23: {  	[tilespmem:s26], [sflag:$0x6] =	stream.linear.gather [hbm4b:s9+s4], $0x2800, $0x38;
	[tilespmem:$0x1F780] =	vst v63  }
0x24: {  	_ =	swait.ge [sflag:s28], $0x2800  }
0x25: {  	[sflag:s28] =	ssyncset.done $0x0  }
0x26: {  	[sflag:s28] =	ssyncadd.s32 $0xFFFFD800  }
0x27: {  	[spmem:s8] =	stream.linear.scatter [tilespmem:s26], [sflag:$0x6], $0x2800, $0x38;
	[tilespmem:$0x1F780] =	vst v63  }
0x28: {  	_ =	swait.ge [sflag:s28], $0x2800  }
0x29: {  	[sflag:s28] =	ssyncset.done $0x0  }
0x2a: {  	[sflag:s28] =	ssyncadd.s32 $0xFFFFD800  }
0x2b: {  	[spmem:s10] =	stream.linear.scatter [tilespmem:s26], [sflag:$0x6], $0x2800, $0x38;
	[tilespmem:$0x1F780] =	vst v63  }
0x2c: {  	_ =	swait.ge [sflag:s28], $0x2800  }
0x2d: {  	[sflag:s28] =	ssyncset.done $0x0  }
0x2e: {  	[sflag:s28] =	ssyncadd.s32 $0xFFFFD800  }
0x2f: {  	[spmem:s11] =	stream.linear.scatter [tilespmem:s26], [sflag:$0x6], $0x2800, $0x38;
	[tilespmem:$0x1F780] =	vst v63  }
0x30: {  	_ =	swait.ge [sflag:s28], $0x2800  }
0x31: {  	[sflag:s28] =	ssyncset.done $0x0  }
0x32: {  	[sflag:s28] =	ssyncadd.s32 $0xFFFFD800  }
0x33: {  	[spmem:s12] =	stream.linear.scatter [tilespmem:s26], [sflag:$0x6], $0x2800, $0x38;
	[tilespmem:$0x1F780] =	vst v63  }
0x34: {  	_ =	swait.ge [sflag:s28], $0x2800  }
0x35: {  	[sflag:s28] =	ssyncset.done $0x0  }
0x36: {  	[sflag:s28] =	ssyncadd.s32 $0xFFFFD800  }
0x37: {  	[spmem:s13] =	stream.linear.scatter [tilespmem:s26], [sflag:$0x6], $0x2800, $0x38;
	[tilespmem:$0x1F780] =	vst v63  }
0x38: {  	_ =	swait.ge [sflag:s28], $0x2800  }
0x39: {  	[sflag:s28] =	ssyncset.done $0x0  }
0x3a: {  	[sflag:s28] =	ssyncadd.s32 $0xFFFFD800  }
0x3b: {  	[spmem:s14] =	stream.linear.scatter [tilespmem:s26], [sflag:$0x6], $0x2800, $0x38;
	[tilespmem:$0x1F780] =	vst v63  }
0x3c: {  	_ =	swait.ge [sflag:s28], $0x2800  }
0x3d: {  	[sflag:s28] =	ssyncset.done $0x0  }
0x3e: {  	[sflag:s28] =	ssyncadd.s32 $0xFFFFD800  }
0x3f: {  	[spmem:s15] =	stream.linear.scatter [tilespmem:s26], [sflag:$0x6], $0x2800, $0x38;
	[tilespmem:$0x1F780] =	vst v63  }
0x40: {  	_ =	swait.ge [sflag:s28], $0x2800  }
0x41: {  	[sflag:s28] =	ssyncset.done $0x0  }
0x42: {  	[sflag:s28] =	ssyncadd.s32 $0xFFFFD800  }
0x43: {  	[spmem:s16] =	stream.linear.scatter [tilespmem:s26], [sflag:$0x6], $0x2800, $0x38;
	[tilespmem:$0x1F780] =	vst v63  }
0x44: {  	_ =	swait.ge [sflag:s28], $0x2800  }
0x45: {  	[sflag:s28] =	ssyncset.done $0x0  }
0x46: {  	[sflag:s28] =	ssyncadd.s32 $0xFFFFD800  }
0x47: {  	_ =	swait.ge [sflag:s29], $0x2710  }
0x48: {  	[sflag:s29] =	ssyncset.done $0x0  }
0x49: {  	[sflag:s29] =	ssyncadd.s32 $0xFFFFD8F0  }
0x4a: {  	_ =	swait.ge [sflag:s29], $0x3E80  }
0x4b: {  	[sflag:s29] =	ssyncset.done $0x0  }
0x4c: {  	[sflag:s29] =	ssyncadd.s32 $0xFFFFC180  }
0x4d: {  	[bflag:$0x0] =	sbarrier.arrive $0xFFFF  }
0x4e: {  	[tilespmem:s26], [sflag:$0x2] =	stream.indirect.gather [hbm4b:s1+s30], $0x80, s4, s30, $0xb8;
	[tilespmem:$0x1F780] =	vst v63  }
0x4f: {  	_ = 	snop  }
0x50: {  	[tilespmem:s31], [sflag:$0x3] =	stream.indirect.gather [hbm4b:s1+s30], $0x80, s30, s30, $0xb8;
	[tilespmem:$0x1F780] =	vst v63  }
0x51: {  	_ =	swait.ge [sflag:s2], $0x2800  }
0x52: {  	[sflag:s2] =	ssyncset.done $0x0  }
0x53: {  	s17 =	simm.s32 $0x2780;
	[sflag:s2] =	ssyncadd.s32 $0xFFFFD800  }
0x54: {  	[spmem:s3] =	stream.indirect.scatter.add.f32 [tilespmem:s26], [sflag:$0x4], $0x80, s17, s30, $0xb8;
	[tilespmem:$0x1F780] =	vst v63  }
0x55: {  	_ =	swait.ge [sflag:s0], $0x2800  }
0x56: {  	[sflag:s0] =	ssyncset.done $0x0  }
0x57: {  	s18 =	simm.s32 $0x2800;
	[sflag:s0] =	ssyncadd.s32 $0xFFFFD800  }
0x58: {  	[spmem:s3] =	stream.indirect.scatter.add.f32 [tilespmem:s31], [sflag:$0x5], $0x80, s18, s30, $0xb8;
	[tilespmem:$0x1F780] =	vst v63  }
0x59: {  	_ =	swait.ge [sflag:s25], $0x2800  }
0x5a: {  	[sflag:s25] =	ssyncset.done $0x0  }
0x5b: {  	s19 =	simm.s32 $0xA0;
	[sflag:s25] =	ssyncadd.s32 $0xFFFFD800  }
0x5c: {  	[tilespmem:s26], [sflag:$0x2] =	stream.indirect.gather [hbm4b:s1+s30], $0x80, s19, s30, $0xb8;
	[tilespmem:$0x1F780] =	vst v63  }
0x5d: {  	_ =	swait.ge [sflag:s5], $0x2800  }
0x5e: {  	s7 =	simm.s32 $0xF0;
	[sflag:s5] =	ssyncset.done $0x0  }
0x5f: {  	s9 =	simm.s32 $0x400;
	s17 =	simm.s32 $0x190;
	[sflag:s5] =	ssyncadd.s32 $0xFFFFD800  }
.LBB2_2:
0x60: {  	[tilespmem:s31], [sflag:$0x3] =	stream.indirect.gather [hbm4b:s1+s30], $0x80, s7, s30, $0xb8;
	[tilespmem:$0x1F780] =	vst v63  }
0x61: {  	s18 =	smov.u32 s9;
	s7 =	smov.u32 s17  }
0x62: {  	p0 =	sne.s32 s9, $0xF000;
	s9 =	sadd.s32 $0x400, s9;
	_ =	swait.ge [sflag:s2], $0x2800  }
0x63: {  	s18 =	sshra.s32 s18, $0x2;
	[sflag:s2] =	ssyncset.done $0x0  }
0x64: {  	s19 =	sadd.s32 $0x2780, s18;
	[sflag:s2] =	ssyncadd.s32 $0xFFFFD800  }
0x65: {  	[spmem:s3] =	stream.indirect.scatter.add.f32 [tilespmem:s26], [sflag:$0x4], $0x80, s19, s30, $0xb8;
	[tilespmem:$0x1F780] =	vst v63  }
0x66: {  	_ =	swait.ge [sflag:s0], $0x2800  }
0x67: {  	[sflag:s0] =	ssyncset.done $0x0  }
0x68: {  	s18 =	sadd.s32 $0x2800, s18;
	[sflag:s0] =	ssyncadd.s32 $0xFFFFD800  }
0x69: {  	[spmem:s3] =	stream.indirect.scatter.add.f32 [tilespmem:s31], [sflag:$0x5], $0x80, s18, s30, $0xb8;
	[tilespmem:$0x1F780] =	vst v63  }
0x6a: {  	_ =	swait.ge [sflag:s25], $0x2800  }
0x6b: {  	[sflag:s25] =	ssyncset.done $0x0  }
.Ltmp0:
0x6c: {  	s18 =	sadd.s32 $0xFFFFFFB0, s17;
	[sflag:s25] =	ssyncadd.s32 $0xFFFFD800;
	(pc) =	sbr.rel @p0 .LBB2_2-.Ltmp0, $4  }
0x6d: {  	[tilespmem:s26], [sflag:$0x2] =	stream.indirect.gather [hbm4b:s1+s30], $0x80, s18, s30, $0xb8;
	[tilespmem:$0x1F780] =	vst v63  }
0x6e: {  	_ =	swait.ge [sflag:s5], $0x2800  }
0x6f: {  	[sflag:s5] =	ssyncset.done $0x0  }
0x70: {  	s17 =	sadd.s32 $0xA0, s17;
	[sflag:s5] =	ssyncadd.s32 $0xFFFFD800  }
0x71: {  	[tilespmem:s31], [sflag:$0x3] =	stream.indirect.gather [hbm4b:s1+s30], $0x80, s7, s30, $0xb8;
	[tilespmem:$0x1F780] =	vst v63  }
0x72: {  	_ =	swait.ge [sflag:s2], $0x2800  }
0x73: {  	[sflag:s2] =	ssyncset.done $0x0  }
0x74: {  	s9 =	simm.s32 $0x6480;
	[sflag:s2] =	ssyncadd.s32 $0xFFFFD800  }
0x75: {  	[spmem:s3] =	stream.indirect.scatter.add.f32 [tilespmem:s26], [sflag:$0x4], $0x80, s9, s30, $0xb8;
	[tilespmem:$0x1F780] =	vst v63  }
0x76: {  	_ =	swait.ge [sflag:s0], $0x2800  }
0x77: {  	[sflag:s0] =	ssyncset.done $0x0  }
0x78: {  	s17 =	simm.s32 $0x6500;
	[sflag:s0] =	ssyncadd.s32 $0xFFFFD800  }
0x79: {  	[spmem:s3] =	stream.indirect.scatter.add.f32 [tilespmem:s31], [sflag:$0x5], $0x80, s17, s30, $0xb8;
	[tilespmem:$0x1F780] =	vst v63  }
0x7a: {  	_ =	swait.ge [sflag:s25], $0x2800  }
0x7b: {  	[sflag:s25] =	ssyncset.done $0x0  }
0x7c: {  	s18 =	simm.s32 $0x26C0;
	[sflag:s25] =	ssyncadd.s32 $0xFFFFD800  }
0x7d: {  	[tilespmem:s26], [sflag:$0x2] =	stream.indirect.gather [hbm4b:s1+s30], $0x80, s18, s30, $0xb8;
	[tilespmem:$0x1F780] =	vst v63  }
0x7e: {  	_ =	swait.ge [sflag:s5], $0x2800  }
0x7f: {  	[sflag:s5] =	ssyncset.done $0x0  }
0x80: {  	[sflag:s5] =	ssyncadd.s32 $0xFFFFD800  }
0x81: {  	_ =	swait.ge [sflag:s2], $0x2800  }
0x82: {  	[sflag:s2] =	ssyncset.done $0x0  }
0x83: {  	s19 =	simm.s32 $0x6580;
	[sflag:s2] =	ssyncadd.s32 $0xFFFFD800  }
0x84: {  	[spmem:s3] =	stream.indirect.scatter.add.f32 [tilespmem:s26], [sflag:$0x4], $0x80, s19, s30, $0xb8;
	[tilespmem:$0x1F780] =	vst v63  }
0x85: {  	_ =	swait.ge [sflag:s25], $0x2800  }
0x86: {  	[sflag:s25] =	ssyncset.done $0x0  }
0x87: {  	[sflag:s25] =	ssyncadd.s32 $0xFFFFD800  }
0x88: {  	[bflag:$0x0] =	sbarrier.arrive $0xFFFF  }
0x89: {  	[tilespmem:s26], [sflag:$0x6] =	stream.linear.gather [spmem:s8], $0x2800, $0x38;
	[tilespmem:$0x1F780] =	vst v63  }
0x8a: {  	_ =	swait.ge [sflag:s28], $0x2800  }
0x8b: {  	[sflag:s28] =	ssyncset.done $0x0  }
0x8c: {  	s9 =	rddreg [dreg:$0x8];
	[sflag:s28] =	ssyncadd.s32 $0xFFFFD800  }
0x8d: {  	[hbm4b:s9+s4] =	stream.linear.scatter [tilespmem:s26], [sflag:$0x6], $0x2800, $0x38;
	[tilespmem:$0x1F780] =	vst v63  }
0x8e: {  	_ =	swait.ge [sflag:s28], $0x2800  }
0x8f: {  	[sflag:s28] =	ssyncset.done $0x0  }
0x90: {  	[sflag:s28] =	ssyncadd.s32 $0xFFFFD800  }
0x91: {  	[tilespmem:s26], [sflag:$0x6] =	stream.linear.gather [spmem:s10], $0x2800, $0x38;
	[tilespmem:$0x1F780] =	vst v63  }
0x92: {  	_ =	swait.ge [sflag:s28], $0x2800  }
0x93: {  	[sflag:s28] =	ssyncset.done $0x0  }
0x94: {  	s17 =	rddreg [dreg:$0x9];
	[sflag:s28] =	ssyncadd.s32 $0xFFFFD800  }
0x95: {  	[hbm4b:s17+s4] =	stream.linear.scatter [tilespmem:s26], [sflag:$0x6], $0x2800, $0x38;
	[tilespmem:$0x1F780] =	vst v63  }
0x96: {  	_ =	swait.ge [sflag:s28], $0x2800  }
0x97: {  	[sflag:s28] =	ssyncset.done $0x0  }
0x98: {  	[sflag:s28] =	ssyncadd.s32 $0xFFFFD800  }
0x99: {  	[tilespmem:s26], [sflag:$0x6] =	stream.linear.gather [spmem:s11], $0x2800, $0x38;
	[tilespmem:$0x1F780] =	vst v63  }
0x9a: {  	_ =	swait.ge [sflag:s28], $0x2800  }
0x9b: {  	[sflag:s28] =	ssyncset.done $0x0  }
0x9c: {  	s18 =	rddreg [dreg:$0xa];
	[sflag:s28] =	ssyncadd.s32 $0xFFFFD800  }
0x9d: {  	[hbm4b:s18+s4] =	stream.linear.scatter [tilespmem:s26], [sflag:$0x6], $0x2800, $0x38;
	[tilespmem:$0x1F780] =	vst v63  }
0x9e: {  	_ =	swait.ge [sflag:s28], $0x2800  }
0x9f: {  	[sflag:s28] =	ssyncset.done $0x0  }
0xa0: {  	[sflag:s28] =	ssyncadd.s32 $0xFFFFD800  }
0xa1: {  	[tilespmem:s26], [sflag:$0x6] =	stream.linear.gather [spmem:s12], $0x2800, $0x38;
	[tilespmem:$0x1F780] =	vst v63  }
0xa2: {  	_ =	swait.ge [sflag:s28], $0x2800  }
0xa3: {  	[sflag:s28] =	ssyncset.done $0x0  }
0xa4: {  	[sflag:s28] =	ssyncadd.s32 $0xFFFFD800  }
0xa5: {  	[hbm4b:s20+s4] =	stream.linear.scatter [tilespmem:s26], [sflag:$0x6], $0x2800, $0x38;
	[tilespmem:$0x1F780] =	vst v63  }
0xa6: {  	_ =	swait.ge [sflag:s28], $0x2800  }
0xa7: {  	[sflag:s28] =	ssyncset.done $0x0  }
0xa8: {  	[sflag:s28] =	ssyncadd.s32 $0xFFFFD800  }
0xa9: {  	[tilespmem:s26], [sflag:$0x6] =	stream.linear.gather [spmem:s13], $0x2800, $0x38;
	[tilespmem:$0x1F780] =	vst v63  }
0xaa: {  	_ =	swait.ge [sflag:s28], $0x2800  }
0xab: {  	[sflag:s28] =	ssyncset.done $0x0  }
0xac: {  	[sflag:s28] =	ssyncadd.s32 $0xFFFFD800  }
0xad: {  	[hbm4b:s21+s4] =	stream.linear.scatter [tilespmem:s26], [sflag:$0x6], $0x2800, $0x38;
	[tilespmem:$0x1F780] =	vst v63  }
0xae: {  	_ =	swait.ge [sflag:s28], $0x2800  }
0xaf: {  	[sflag:s28] =	ssyncset.done $0x0  }
0xb0: {  	[sflag:s28] =	ssyncadd.s32 $0xFFFFD800  }
0xb1: {  	[tilespmem:s26], [sflag:$0x6] =	stream.linear.gather [spmem:s14], $0x2800, $0x38;
	[tilespmem:$0x1F780] =	vst v63  }
0xb2: {  	_ =	swait.ge [sflag:s28], $0x2800  }
0xb3: {  	[sflag:s28] =	ssyncset.done $0x0  }
0xb4: {  	[sflag:s28] =	ssyncadd.s32 $0xFFFFD800  }
0xb5: {  	[hbm4b:s22+s4] =	stream.linear.scatter [tilespmem:s26], [sflag:$0x6], $0x2800, $0x38;
	[tilespmem:$0x1F780] =	vst v63  }
0xb6: {  	_ =	swait.ge [sflag:s28], $0x2800  }
0xb7: {  	[sflag:s28] =	ssyncset.done $0x0  }
0xb8: {  	[sflag:s28] =	ssyncadd.s32 $0xFFFFD800  }
0xb9: {  	[tilespmem:s26], [sflag:$0x6] =	stream.linear.gather [spmem:s15], $0x2800, $0x38;
	[tilespmem:$0x1F780] =	vst v63  }
0xba: {  	_ =	swait.ge [sflag:s28], $0x2800  }
0xbb: {  	[sflag:s28] =	ssyncset.done $0x0  }
0xbc: {  	[sflag:s28] =	ssyncadd.s32 $0xFFFFD800  }
0xbd: {  	[hbm4b:s23+s4] =	stream.linear.scatter [tilespmem:s26], [sflag:$0x6], $0x2800, $0x38;
	[tilespmem:$0x1F780] =	vst v63  }
0xbe: {  	_ =	swait.ge [sflag:s28], $0x2800  }
0xbf: {  	[sflag:s28] =	ssyncset.done $0x0  }
0xc0: {  	[sflag:s28] =	ssyncadd.s32 $0xFFFFD800  }
0xc1: {  	[tilespmem:s26], [sflag:$0x6] =	stream.linear.gather [spmem:s16], $0x2800, $0x38;
	[tilespmem:$0x1F780] =	vst v63  }
0xc2: {  	_ =	swait.ge [sflag:s28], $0x2800  }
0xc3: {  	[sflag:s28] =	ssyncset.done $0x0  }
0xc4: {  	[sflag:s28] =	ssyncadd.s32 $0xFFFFD800  }
0xc5: {  	[hbm4b:s24+s4] =	stream.linear.scatter [tilespmem:s26], [sflag:$0x6], $0x2800, $0x38;
	[tilespmem:$0x1F780] =	vst v63  }
0xc6: {  	_ =	swait.ge [sflag:s28], $0x2800  }
0xc7: {  	s6 =	sadd.s32 $0x1, s6;
	s19 =	rddreg [dreg:$0x7]  }
0xc8: {  	p0 =	sne.s32 s6, s19  }
.Ltmp1:
0xc9: {  	_ = 	snop;
	(pc) =	sbr.rel @p0 .LBB2_1-.Ltmp1, $3  }
0xca: {  	_ =	sdelay $0x1  }
0xcb: {  	[sflag:s28] =	ssyncset.done $0x0  }
0xcc: {  	[sflag:s28] =	ssyncadd.s32 $0xFFFFD800  }
0xcd: {  	_ =	sfence.sel $0x180000  }
0xce: {  	[bflag:$0x0] =	sbarrier.arrive $0xFFFF  }
0xcf: {  	_ =	strace $0x90000047  }
0xd0: {  	s0 =	stileid.u32;
	[bflag:$0x2] =	sbarrier.arrive $0xFFFF  }
0xd1: {  	p0 =	sne.s32 s0, $0x0;
	s0 =	rddreg [dreg:$0x3]  }
0xd2: {  	s0 =	sadd.s32 @!p0 $0x100000, s0  }
0xd3: {  	[sflag:s0] =	ssyncadd.tile.s32 @!p0 $0x1;
	_ =	shalt  }
.Lfunc_end2:
_tile_overlayer_lowered:
.L_overlay_start_2:
0xd4: {  	(tag) =	ssettag $0x2  }
0xd5: {  	s0 =	rddreg [dreg:$0x0];
	s2 =	stileid.u32  }
0xd6: {  	s1 =	rddreg [dreg:$0x1];
	p0 =	sne.s32 s2, $0x0  }
0xd7: {  	s3 =	rddreg [dreg:$0x2];
	[bflag:$0x3] =	sbarrier.arrive $0xFFFF;
	s2 =	simm.s32 @!p0 $0x1C06  }
0xd8: {  	[timem:s3], [sflag:s2] =	dma.local @!p0 [hbm:s0], s1  }
0xd9: {  	s0 =	simm.s32 @!p0 $0x6  }
0xda: {  	_ =	swait.ge @!p0 [sflag:s0], s1  }
0xdb: {  	s1 =	ssub.s32 @!p0 $0x0, s1;
	[sflag:s0] =	ssyncset.done @!p0 $0x0  }
0xdc: {  	[sflag:s0] =	ssyncadd.s32 @!p0 s1  }
0xdd: {  	[bflag:$0x3] =	sbarrier.arrive $0xFFFF  }
0xde: {  	_ =	shalt  }

</sc_bundles>
